<compile_context>
chip_gen: v7x
topology: tpu7x:2x2x1
jax: 0.10.2.dev20260603
libtpu: 0.0.44.dev20260713+nightly
codegen_flags: <defaults>
</compile_context>

<pallas_src>
import functools

import jax
import jax.numpy as jnp
from jax import lax
from jax.experimental import pallas as pl
from jax.experimental.pallas import tpu as pltpu
from jax.experimental.pallas import tpu_sc as plsc

_NC = 2
_NS = 16
_NW = _NC * _NS
_L = 16


def _project_body(x_ref, w1_ref, b1r_ref, gw1_ref, w2_ref, b2r_ref,
                  gw2_ref, w3_ref, u_ref, c2_ref):
    g = (w1_ref[...] * gw1_ref[...]) @ w2_ref[...]
    wc = (g * gw2_ref[...]) @ w3_ref[...]
    c1 = (((b1r_ref[...] * gw1_ref[...]) @ w2_ref[...])
          * gw2_ref[...]) @ w3_ref[...]
    u_ref[...] = x_ref[...] @ wc + c1
    c2_ref[...] = (b2r_ref[...] * gw2_ref[...]) @ w3_ref[...]


def _combine_body(p_ref, o_ref, *, nfp, group):
    i = pl.program_id(0)
    acc = p_ref[pl.ds(0, nfp)]
    for g in range(1, group):
        acc += p_ref[pl.ds(g * nfp, nfp)]

    @pl.when(i == 0)
    def _():
        o_ref[...] = jnp.zeros_like(o_ref)

    o_ref[...] += acc


@functools.lru_cache(maxsize=None)
def _make_scatter_pass(n, e, fo):
    nf = n * fo
    nfp = -(-nf // 1024) * 1024
    ept = e // _NW
    assert ept * _NW == e and ept % _L == 0 and nf % _L == 0

    mesh = plsc.VectorSubcoreMesh(core_axis_name="c", subcore_axis_name="s")

    @functools.partial(
        pl.kernel,
        out_type=jax.ShapeDtypeStruct((_NW * nfp,), jnp.float32),
        mesh=mesh,
        compiler_params=pltpu.CompilerParams(needs_layout_passes=False),
        scratch_types=[
            pltpu.VMEM((nf,), jnp.float32),
            pltpu.VMEM((nfp,), jnp.float32),
            pltpu.VMEM((ept,), jnp.int32),
            pltpu.VMEM((ept,), jnp.int32),
            pltpu.SemaphoreType.DMA,
        ],
    )
    def scatter_pass(u_hbm, row_hbm, col_hbm, out_hbm,
                     u_v, v_v, row_v, col_v, sem):
        c = lax.axis_index("c")
        s = lax.axis_index("s")
        wid = s * _NC + c
        base = wid * ept
        cp_r = pltpu.async_copy(row_hbm.at[pl.ds(base, ept)], row_v, sem)
        cp_c = pltpu.async_copy(col_hbm.at[pl.ds(base, ept)], col_v, sem)
        cp_u = pltpu.async_copy(u_hbm, u_v, sem)

        zero = jnp.zeros((_L,), jnp.float32)

        @plsc.parallel_loop(0, nfp // _L, unroll=8)
        def _(i):
            v_v[pl.ds(i * _L, _L)] = zero

        cp_r.wait()
        cp_c.wait()
        cp_u.wait()

        @plsc.parallel_loop(0, ept // _L, unroll=4)
        def _(i):
            cv = col_v[pl.ds(i * _L, _L)]
            rv = row_v[pl.ds(i * _L, _L)]
            cb = cv * fo
            rb = rv * fo
            for f in range(fo):
                gi = cb + f if f else cb
                si = rb + f if f else rb
                g = plsc.load_gather(u_v, [gi])
                plsc.addupdate_scatter(v_v, [si], g)
        pltpu.sync_copy(v_v, out_hbm.at[pl.ds(wid * nfp, nfp)])

    return scatter_pass


def _combine(partials, nfp, group=4):
    return pl.pallas_call(
        functools.partial(_combine_body, nfp=nfp, group=group),
        grid=(_NW // group,),
        in_specs=[pl.BlockSpec((group * nfp,), lambda i: (i,))],
        out_specs=pl.BlockSpec((nfp,), lambda i: (0,)),
        out_shape=jax.ShapeDtypeStruct((nfp,), jnp.float32),
    )(partials)


def kernel(x, edge_index, W1, b1, gw1, W2, b2, gw2, W3, b3):
    n, _ = x.shape
    e = edge_index.shape[1]
    fo = W3.shape[1]
    nf = n * fo
    nfp = -(-nf // 1024) * 1024

    row = edge_index[0]
    col = edge_index[1]
    b1r = b1.reshape(1, -1)
    b2r = b2.reshape(1, -1)

    u2d, c2row = pl.pallas_call(
        _project_body,
        out_shape=[jax.ShapeDtypeStruct((n, fo), jnp.float32),
                   jax.ShapeDtypeStruct((1, fo), jnp.float32)],
    )(x, W1, b1r, gw1, W2, b2r, gw2, W3)
    u = u2d.reshape(nf)

    scatter = _make_scatter_pass(n, e, fo)

    p_part = scatter(u, row, col)
    v = _combine(p_part, nfp)[:nf]
    v = v + jnp.tile(c2row[0], n)

    q_part = scatter(v, row, col)
    out_flat = _combine(q_part, nfp)[:nf]
    return out_flat.reshape(n, fo) + b3[None, :]

# --- scband reference (transcript-rebuilt; emitter-appended) ---
"""Pipeline reference for scband-my-model-31688268710017 (READ-ONLY COPY).

The authoritative reference and input builder live on the scoring server;
editing this copy changes nothing except your own understanding.
"""

import jax, jax.numpy as jnp
import numpy as np

N = 10000
E = 320000
D = 128


def setup_inputs(seed: int = 0) -> dict:
    key = jax.random.key(seed)
    ks = jax.random.split(key, 10)
    x = jax.random.normal(ks[0], (N, D), dtype=jnp.float32)
    edge_index = jax.random.randint(ks[1], (2, E), 0, N, dtype=jnp.int32)
    # dense1: D -> 96
    W1 = jax.random.normal(ks[2], (D, 96), dtype=jnp.float32) * 0.05
    b1 = jnp.zeros((96,), dtype=jnp.float32)
    # gcn1 elementwise weight (1, 96)
    gw1 = jax.random.normal(ks[3], (1, 96), dtype=jnp.float32) * 0.05
    # dense2: 96 -> 64
    W2 = jax.random.normal(ks[4], (96, 64), dtype=jnp.float32) * 0.05
    b2 = jnp.zeros((64,), dtype=jnp.float32)
    # gcn2 elementwise weight (1, 64)
    gw2 = jax.random.normal(ks[5], (1, 64), dtype=jnp.float32) * 0.05
    # dense3: 64 -> 4
    W3 = jax.random.normal(ks[6], (64, 4), dtype=jnp.float32) * 0.05
    b3 = jnp.zeros((4,), dtype=jnp.float32)
    return {"x": x, "edge_index": edge_index, "W1": W1, "b1": b1, "gw1": gw1,
            "W2": W2, "b2": b2, "gw2": gw2, "W3": W3, "b3": b3}


def reference(x, edge_index, W1, b1, gw1, W2, b2, gw2, W3, b3):
    # adj is a sparse [N, N] 0/1 matrix in COO form: edge (row=dst, col=src)
    row = edge_index[0]
    col = edge_index[1]
    # dense1
    h = x @ W1 + b1
    # gcn1 (training branch): ax = adj @ h; z = ax * weights1
    ax = jnp.zeros((N, h.shape[1]), dtype=h.dtype).at[row].add(h[col])
    z = ax * gw1
    # dense2
    h2 = z @ W2 + b2
    # gcn2: ax2 = adj @ h2; z2 = ax2 * weights1(2)
    ax2 = jnp.zeros((N, h2.shape[1]), dtype=h2.dtype).at[row].add(h2[col])
    z2 = ax2 * gw2
    # dense3
    out = z2 @ W3 + b3
    return out

if __name__ == "__main__":
    import jax
    _d = setup_inputs()
    print(jax.jit(kernel)(*tuple(_d.values())))

</pallas_src>

<mosaic_0001>
#map = affine_map<(d0, d1) -> (0)>
module attributes {stable_mosaic.version = 14 : i64} {
  func.func @scatter_pass(%arg0: i32, %arg1: i32, %arg2: memref<40000xf32, #tpu.memory_space<hbm>>, %arg3: memref<320000xi32, #tpu.memory_space<hbm>>, %arg4: memref<320000xi32, #tpu.memory_space<hbm>>, %arg5: memref<1310720xf32, #tpu.memory_space<hbm>>, %arg6: memref<40000xf32, #tpu.memory_space<vmem>>, %arg7: memref<40960xf32, #tpu.memory_space<vmem>>, %arg8: memref<10000xi32, #tpu.memory_space<vmem>>, %arg9: memref<10000xi32, #tpu.memory_space<vmem>>, %arg10: memref<!tpu.dma_semaphore, #tpu.memory_space<semaphore_mem>>) attributes {dimension_semantics = [#tpu.dimension_semantics<core_parallel>, #tpu.dimension_semantics<subcore_parallel>], iteration_bounds = array<i64: 2, 16>, scalar_prefetch = 0 : i64, scratch_operands = 5 : i64, tpu.core_type = #tpu.core_type<sc_vector_subcore>, window_params = [{transform_indices = #map}, {transform_indices = #map}, {transform_indices = #map}, {transform_indices = #map}]} {
    %mul3A = arith.constant 2 : i32
    %mul3A_0 = arith.muli %arg1, %mul3A : i32
    %add3A = arith.addi %mul3A_0, %arg0 : i32
    %mul3A_1 = arith.constant 10000 : i32
    %mul3A_2 = arith.muli %add3A, %mul3A_1 : i32
    %dma_start3A = tpu.memref_slice %arg3[%mul3A_2] : memref<320000xi32, #tpu.memory_space<hbm>> -> memref<10000xi32, #tpu.memory_space<hbm>>
    %dma_start3A_3 = tpu.memref_slice %arg3[%mul3A_2] : memref<320000xi32, #tpu.memory_space<hbm>> -> memref<10000xi32, #tpu.memory_space<hbm>>
    tpu.enqueue_dma source(%dma_start3A_3 : memref<10000xi32, #tpu.memory_space<hbm>>) target(%arg8 : memref<10000xi32, #tpu.memory_space<vmem>>) target_semaphore(%arg10 : memref<!tpu.dma_semaphore, #tpu.memory_space<semaphore_mem>>)
    %dma_start3A_4 = tpu.memref_slice %arg4[%mul3A_2] : memref<320000xi32, #tpu.memory_space<hbm>> -> memref<10000xi32, #tpu.memory_space<hbm>>
    %dma_start3A_5 = tpu.memref_slice %arg4[%mul3A_2] : memref<320000xi32, #tpu.memory_space<hbm>> -> memref<10000xi32, #tpu.memory_space<hbm>>
    tpu.enqueue_dma source(%dma_start3A_5 : memref<10000xi32, #tpu.memory_space<hbm>>) target(%arg9 : memref<10000xi32, #tpu.memory_space<vmem>>) target_semaphore(%arg10 : memref<!tpu.dma_semaphore, #tpu.memory_space<semaphore_mem>>)
    tpu.enqueue_dma source(%arg2 : memref<40000xf32, #tpu.memory_space<hbm>>) target(%arg6 : memref<40000xf32, #tpu.memory_space<vmem>>) target_semaphore(%arg10 : memref<!tpu.dma_semaphore, #tpu.memory_space<semaphore_mem>>)
    %broadcast_in_dim3A = arith.constant 0.000000e+00 : f32
    %broadcast_in_dim3A_6 = vector.broadcast %broadcast_in_dim3A : f32 to vector<16xf32>
    %parallel_loop3A = arith.constant 0 : i32
    %parallel_loop3A_7 = arith.constant 2560 : i32
    %parallel_loop3A_8 = arith.constant 1 : i32
    scf.for %parallel_loop3A_17 = %parallel_loop3A to %parallel_loop3A_7 step %parallel_loop3A_8  : i32 {
      %parallel_loop3A_18 = arith.constant 16 : i32
      %parallel_loop3A_19 = arith.muli %parallel_loop3A_17, %parallel_loop3A_18 : i32
      %parallel_loop3A_20 = arith.index_cast %parallel_loop3A_19 : i32 to index
      %parallel_loop3A_21 = tpu.vector_load %arg7[%parallel_loop3A_20] {strides = array<i32>} : memref<40960xf32, #tpu.memory_space<vmem>>, vector<16xf32>,
      tpu.vector_store %arg7[%parallel_loop3A_20], %broadcast_in_dim3A_6 {strides = array<i32>} : memref<40960xf32, #tpu.memory_space<vmem>>, vector<16xf32>,
    } {sc.loop_unroll_factor = 8 : i64, sc.parallel_access}
    %dma_wait3A = tpu.memref_slice %arg3[%mul3A_2] : memref<320000xi32, #tpu.memory_space<hbm>> -> memref<10000xi32, #tpu.memory_space<hbm>>
    %dma_wait3A_9 = tpu.memref_slice %arg3[%mul3A_2] : memref<320000xi32, #tpu.memory_space<hbm>> -> memref<10000xi32, #tpu.memory_space<hbm>>
    tpu.wait_dma2 semaphore(%arg10 : memref<!tpu.dma_semaphore, #tpu.memory_space<semaphore_mem>>) src(%dma_wait3A_9 : memref<10000xi32, #tpu.memory_space<hbm>>) dst(%arg8 : memref<10000xi32, #tpu.memory_space<vmem>>)
    %dma_wait3A_10 = tpu.memref_slice %arg4[%mul3A_2] : memref<320000xi32, #tpu.memory_space<hbm>> -> memref<10000xi32, #tpu.memory_space<hbm>>
    %dma_wait3A_11 = tpu.memref_slice %arg4[%mul3A_2] : memref<320000xi32, #tpu.memory_space<hbm>> -> memref<10000xi32, #tpu.memory_space<hbm>>
    tpu.wait_dma2 semaphore(%arg10 : memref<!tpu.dma_semaphore, #tpu.memory_space<semaphore_mem>>) src(%dma_wait3A_11 : memref<10000xi32, #tpu.memory_space<hbm>>) dst(%arg9 : memref<10000xi32, #tpu.memory_space<vmem>>)
    tpu.wait_dma2 semaphore(%arg10 : memref<!tpu.dma_semaphore, #tpu.memory_space<semaphore_mem>>) src(%arg2 : memref<40000xf32, #tpu.memory_space<hbm>>) dst(%arg6 : memref<40000xf32, #tpu.memory_space<vmem>>)
    %parallel_loop3A_12 = arith.constant 0 : i32
    %parallel_loop3A_13 = arith.constant 625 : i32
    %parallel_loop3A_14 = arith.constant 1 : i32
    scf.for %parallel_loop3A_17 = %parallel_loop3A_12 to %parallel_loop3A_13 step %parallel_loop3A_14  : i32 {
      %parallel_loop3A_18 = arith.constant 16 : i32
      %parallel_loop3A_19 = arith.muli %parallel_loop3A_17, %parallel_loop3A_18 : i32
      %parallel_loop3A_20 = arith.index_cast %parallel_loop3A_19 : i32 to index
      %parallel_loop3A_21 = tpu.vector_load %arg9[%parallel_loop3A_20] {strides = array<i32>} : memref<10000xi32, #tpu.memory_space<vmem>>, vector<16xi32>,
      %parallel_loop3A_22 = arith.constant 16 : i32
      %parallel_loop3A_23 = arith.muli %parallel_loop3A_17, %parallel_loop3A_22 : i32
      %parallel_loop3A_24 = arith.index_cast %parallel_loop3A_23 : i32 to index
      %parallel_loop3A_25 = tpu.vector_load %arg8[%parallel_loop3A_24] {strides = array<i32>} : memref<10000xi32, #tpu.memory_space<vmem>>, vector<16xi32>,
      %parallel_loop3A_26 = arith.constant 4 : i32
      %parallel_loop3A_27 = vector.broadcast %parallel_loop3A_26 : i32 to vector<16xi32>
      %parallel_loop3A_28 = arith.muli %parallel_loop3A_21, %parallel_loop3A_27 : vector<16xi32>
      %parallel_loop3A_29 = arith.constant 4 : i32
      %parallel_loop3A_30 = vector.broadcast %parallel_loop3A_29 : i32 to vector<16xi32>
      %parallel_loop3A_31 = arith.muli %parallel_loop3A_25, %parallel_loop3A_30 : vector<16xi32>
      %parallel_loop3A_32 = tpu.vector_load_idx %arg6[%parallel_loop3A_28] : memref<40000xf32, #tpu.memory_space<vmem>>[vector<16xi32>], vector<16xf32>,
      tpu.vector_store_idx %arg7[%parallel_loop3A_31], %parallel_loop3A_32 {add = true} : memref<40960xf32, #tpu.memory_space<vmem>>[vector<16xi32>], vector<16xf32>,
      %parallel_loop3A_33 = arith.constant 1 : i32
      %parallel_loop3A_34 = vector.broadcast %parallel_loop3A_33 : i32 to vector<16xi32>
      %parallel_loop3A_35 = arith.addi %parallel_loop3A_28, %parallel_loop3A_34 : vector<16xi32>
      %parallel_loop3A_36 = arith.constant 1 : i32
      %parallel_loop3A_37 = vector.broadcast %parallel_loop3A_36 : i32 to vector<16xi32>
      %parallel_loop3A_38 = arith.addi %parallel_loop3A_31, %parallel_loop3A_37 : vector<16xi32>
      %parallel_loop3A_39 = tpu.vector_load_idx %arg6[%parallel_loop3A_35] : memref<40000xf32, #tpu.memory_space<vmem>>[vector<16xi32>], vector<16xf32>,
      tpu.vector_store_idx %arg7[%parallel_loop3A_38], %parallel_loop3A_39 {add = true} : memref<40960xf32, #tpu.memory_space<vmem>>[vector<16xi32>], vector<16xf32>,
      %parallel_loop3A_40 = arith.constant 2 : i32
      %parallel_loop3A_41 = vector.broadcast %parallel_loop3A_40 : i32 to vector<16xi32>
      %parallel_loop3A_42 = arith.addi %parallel_loop3A_28, %parallel_loop3A_41 : vector<16xi32>
      %parallel_loop3A_43 = arith.constant 2 : i32
      %parallel_loop3A_44 = vector.broadcast %parallel_loop3A_43 : i32 to vector<16xi32>
      %parallel_loop3A_45 = arith.addi %parallel_loop3A_31, %parallel_loop3A_44 : vector<16xi32>
      %parallel_loop3A_46 = tpu.vector_load_idx %arg6[%parallel_loop3A_42] : memref<40000xf32, #tpu.memory_space<vmem>>[vector<16xi32>], vector<16xf32>,
      tpu.vector_store_idx %arg7[%parallel_loop3A_45], %parallel_loop3A_46 {add = true} : memref<40960xf32, #tpu.memory_space<vmem>>[vector<16xi32>], vector<16xf32>,
      %parallel_loop3A_47 = arith.constant 3 : i32
      %parallel_loop3A_48 = vector.broadcast %parallel_loop3A_47 : i32 to vector<16xi32>
      %parallel_loop3A_49 = arith.addi %parallel_loop3A_28, %parallel_loop3A_48 : vector<16xi32>
      %parallel_loop3A_50 = arith.constant 3 : i32
      %parallel_loop3A_51 = vector.broadcast %parallel_loop3A_50 : i32 to vector<16xi32>
      %parallel_loop3A_52 = arith.addi %parallel_loop3A_31, %parallel_loop3A_51 : vector<16xi32>
      %parallel_loop3A_53 = tpu.vector_load_idx %arg6[%parallel_loop3A_49] : memref<40000xf32, #tpu.memory_space<vmem>>[vector<16xi32>], vector<16xf32>,
      tpu.vector_store_idx %arg7[%parallel_loop3A_52], %parallel_loop3A_53 {add = true} : memref<40960xf32, #tpu.memory_space<vmem>>[vector<16xi32>], vector<16xf32>,
    } {sc.loop_unroll_factor = 4 : i64, sc.parallel_access}
    %mul3A_15 = arith.constant 40960 : i32
    %mul3A_16 = arith.muli %add3A, %mul3A_15 : i32
    "tpu.region"() ({
      %run_scoped3A = tpu.sem_alloc : memref<!tpu.dma_semaphore, #tpu.memory_space<semaphore_mem>>
      %dma_start3A_17 = tpu.memref_slice %arg5[%mul3A_16] : memref<1310720xf32, #tpu.memory_space<hbm>> -> memref<40960xf32, #tpu.memory_space<hbm>>
      %dma_start3A_18 = tpu.memref_slice %arg5[%mul3A_16] : memref<1310720xf32, #tpu.memory_space<hbm>> -> memref<40960xf32, #tpu.memory_space<hbm>>
      tpu.enqueue_dma source(%arg7 : memref<40960xf32, #tpu.memory_space<vmem>>) target(%dma_start3A_18 : memref<40960xf32, #tpu.memory_space<hbm>>) target_semaphore(%run_scoped3A : memref<!tpu.dma_semaphore, #tpu.memory_space<semaphore_mem>>)
      %dma_wait3A_19 = tpu.memref_slice %arg5[%mul3A_16] : memref<1310720xf32, #tpu.memory_space<hbm>> -> memref<40960xf32, #tpu.memory_space<hbm>>
      %dma_wait3A_20 = tpu.memref_slice %arg5[%mul3A_16] : memref<1310720xf32, #tpu.memory_space<hbm>> -> memref<40960xf32, #tpu.memory_space<hbm>>
      tpu.wait_dma2 semaphore(%run_scoped3A : memref<!tpu.dma_semaphore, #tpu.memory_space<semaphore_mem>>) src(%arg7 : memref<40960xf32, #tpu.memory_space<vmem>>) dst(%dma_wait3A_20 : memref<40960xf32, #tpu.memory_space<hbm>>)
      tpu.yield
    }) : () -> ()
    return
  }
}

#map = affine_map<(d0, d1) -> (0)>
module attributes {stable_mosaic.version = 14 : i64} {
  func.func @scatter_pass(%arg0: i32, %arg1: i32, %arg2: memref<40000xf32, #tpu.memory_space<hbm>>, %arg3: memref<320000xi32, #tpu.memory_space<hbm>>, %arg4: memref<320000xi32, #tpu.memory_space<hbm>>, %arg5: memref<1310720xf32, #tpu.memory_space<hbm>>, %arg6: memref<40000xf32, #tpu.memory_space<vmem>>, %arg7: memref<40960xf32, #tpu.memory_space<vmem>>, %arg8: memref<10000xi32, #tpu.memory_space<vmem>>, %arg9: memref<10000xi32, #tpu.memory_space<vmem>>, %arg10: memref<!tpu.dma_semaphore, #tpu.memory_space<semaphore_mem>>) attributes {dimension_semantics = [#tpu.dimension_semantics<core_parallel>, #tpu.dimension_semantics<subcore_parallel>], iteration_bounds = array<i64: 2, 16>, scalar_prefetch = 0 : i64, scratch_operands = 5 : i64, tpu.core_type = #tpu.core_type<sc_vector_subcore>, window_params = [{transform_indices = #map}, {transform_indices = #map}, {transform_indices = #map}, {transform_indices = #map}]} {
    %mul3A = arith.constant 2 : i32
    %mul3A_0 = arith.muli %arg1, %mul3A : i32
    %add3A = arith.addi %mul3A_0, %arg0 : i32
    %mul3A_1 = arith.constant 10000 : i32
    %mul3A_2 = arith.muli %add3A, %mul3A_1 : i32
    %dma_start3A = tpu.memref_slice %arg3[%mul3A_2] : memref<320000xi32, #tpu.memory_space<hbm>> -> memref<10000xi32, #tpu.memory_space<hbm>>
    %dma_start3A_3 = tpu.memref_slice %arg3[%mul3A_2] : memref<320000xi32, #tpu.memory_space<hbm>> -> memref<10000xi32, #tpu.memory_space<hbm>>
    tpu.enqueue_dma source(%dma_start3A_3 : memref<10000xi32, #tpu.memory_space<hbm>>) target(%arg8 : memref<10000xi32, #tpu.memory_space<vmem>>) target_semaphore(%arg10 : memref<!tpu.dma_semaphore, #tpu.memory_space<semaphore_mem>>)
    %dma_start3A_4 = tpu.memref_slice %arg4[%mul3A_2] : memref<320000xi32, #tpu.memory_space<hbm>> -> memref<10000xi32, #tpu.memory_space<hbm>>
    %dma_start3A_5 = tpu.memref_slice %arg4[%mul3A_2] : memref<320000xi32, #tpu.memory_space<hbm>> -> memref<10000xi32, #tpu.memory_space<hbm>>
    tpu.enqueue_dma source(%dma_start3A_5 : memref<10000xi32, #tpu.memory_space<hbm>>) target(%arg9 : memref<10000xi32, #tpu.memory_space<vmem>>) target_semaphore(%arg10 : memref<!tpu.dma_semaphore, #tpu.memory_space<semaphore_mem>>)
    tpu.enqueue_dma source(%arg2 : memref<40000xf32, #tpu.memory_space<hbm>>) target(%arg6 : memref<40000xf32, #tpu.memory_space<vmem>>) target_semaphore(%arg10 : memref<!tpu.dma_semaphore, #tpu.memory_space<semaphore_mem>>)
    %broadcast_in_dim3A = arith.constant 0.000000e+00 : f32
    %broadcast_in_dim3A_6 = vector.broadcast %broadcast_in_dim3A : f32 to vector<16xf32>
    %parallel_loop3A = arith.constant 0 : i32
    %parallel_loop3A_7 = arith.constant 2560 : i32
    %parallel_loop3A_8 = arith.constant 1 : i32
    scf.for %parallel_loop3A_17 = %parallel_loop3A to %parallel_loop3A_7 step %parallel_loop3A_8  : i32 {
      %parallel_loop3A_18 = arith.constant 16 : i32
      %parallel_loop3A_19 = arith.muli %parallel_loop3A_17, %parallel_loop3A_18 : i32
      %parallel_loop3A_20 = arith.index_cast %parallel_loop3A_19 : i32 to index
      %parallel_loop3A_21 = tpu.vector_load %arg7[%parallel_loop3A_20] {strides = array<i32>} : memref<40960xf32, #tpu.memory_space<vmem>>, vector<16xf32>,
      tpu.vector_store %arg7[%parallel_loop3A_20], %broadcast_in_dim3A_6 {strides = array<i32>} : memref<40960xf32, #tpu.memory_space<vmem>>, vector<16xf32>,
    } {sc.loop_unroll_factor = 8 : i64, sc.parallel_access}
    %dma_wait3A = tpu.memref_slice %arg3[%mul3A_2] : memref<320000xi32, #tpu.memory_space<hbm>> -> memref<10000xi32, #tpu.memory_space<hbm>>
    %dma_wait3A_9 = tpu.memref_slice %arg3[%mul3A_2] : memref<320000xi32, #tpu.memory_space<hbm>> -> memref<10000xi32, #tpu.memory_space<hbm>>
    tpu.wait_dma2 semaphore(%arg10 : memref<!tpu.dma_semaphore, #tpu.memory_space<semaphore_mem>>) src(%dma_wait3A_9 : memref<10000xi32, #tpu.memory_space<hbm>>) dst(%arg8 : memref<10000xi32, #tpu.memory_space<vmem>>)
    %dma_wait3A_10 = tpu.memref_slice %arg4[%mul3A_2] : memref<320000xi32, #tpu.memory_space<hbm>> -> memref<10000xi32, #tpu.memory_space<hbm>>
    %dma_wait3A_11 = tpu.memref_slice %arg4[%mul3A_2] : memref<320000xi32, #tpu.memory_space<hbm>> -> memref<10000xi32, #tpu.memory_space<hbm>>
    tpu.wait_dma2 semaphore(%arg10 : memref<!tpu.dma_semaphore, #tpu.memory_space<semaphore_mem>>) src(%dma_wait3A_11 : memref<10000xi32, #tpu.memory_space<hbm>>) dst(%arg9 : memref<10000xi32, #tpu.memory_space<vmem>>)
    tpu.wait_dma2 semaphore(%arg10 : memref<!tpu.dma_semaphore, #tpu.memory_space<semaphore_mem>>) src(%arg2 : memref<40000xf32, #tpu.memory_space<hbm>>) dst(%arg6 : memref<40000xf32, #tpu.memory_space<vmem>>)
    %parallel_loop3A_12 = arith.constant 0 : i32
    %parallel_loop3A_13 = arith.constant 625 : i32
    %parallel_loop3A_14 = arith.constant 1 : i32
    scf.for %parallel_loop3A_17 = %parallel_loop3A_12 to %parallel_loop3A_13 step %parallel_loop3A_14  : i32 {
      %parallel_loop3A_18 = arith.constant 16 : i32
      %parallel_loop3A_19 = arith.muli %parallel_loop3A_17, %parallel_loop3A_18 : i32
      %parallel_loop3A_20 = arith.index_cast %parallel_loop3A_19 : i32 to index
      %parallel_loop3A_21 = tpu.vector_load %arg9[%parallel_loop3A_20] {strides = array<i32>} : memref<10000xi32, #tpu.memory_space<vmem>>, vector<16xi32>,
      %parallel_loop3A_22 = arith.constant 16 : i32
      %parallel_loop3A_23 = arith.muli %parallel_loop3A_17, %parallel_loop3A_22 : i32
      %parallel_loop3A_24 = arith.index_cast %parallel_loop3A_23 : i32 to index
      %parallel_loop3A_25 = tpu.vector_load %arg8[%parallel_loop3A_24] {strides = array<i32>} : memref<10000xi32, #tpu.memory_space<vmem>>, vector<16xi32>,
      %parallel_loop3A_26 = arith.constant 4 : i32
      %parallel_loop3A_27 = vector.broadcast %parallel_loop3A_26 : i32 to vector<16xi32>
      %parallel_loop3A_28 = arith.muli %parallel_loop3A_21, %parallel_loop3A_27 : vector<16xi32>
      %parallel_loop3A_29 = arith.constant 4 : i32
      %parallel_loop3A_30 = vector.broadcast %parallel_loop3A_29 : i32 to vector<16xi32>
      %parallel_loop3A_31 = arith.muli %parallel_loop3A_25, %parallel_loop3A_30 : vector<16xi32>
      %parallel_loop3A_32 = tpu.vector_load_idx %arg6[%parallel_loop3A_28] : memref<40000xf32, #tpu.memory_space<vmem>>[vector<16xi32>], vector<16xf32>,
      tpu.vector_store_idx %arg7[%parallel_loop3A_31], %parallel_loop3A_32 {add = true} : memref<40960xf32, #tpu.memory_space<vmem>>[vector<16xi32>], vector<16xf32>,
      %parallel_loop3A_33 = arith.constant 1 : i32
      %parallel_loop3A_34 = vector.broadcast %parallel_loop3A_33 : i32 to vector<16xi32>
      %parallel_loop3A_35 = arith.addi %parallel_loop3A_28, %parallel_loop3A_34 : vector<16xi32>
      %parallel_loop3A_36 = arith.constant 1 : i32
      %parallel_loop3A_37 = vector.broadcast %parallel_loop3A_36 : i32 to vector<16xi32>
      %parallel_loop3A_38 = arith.addi %parallel_loop3A_31, %parallel_loop3A_37 : vector<16xi32>
      %parallel_loop3A_39 = tpu.vector_load_idx %arg6[%parallel_loop3A_35] : memref<40000xf32, #tpu.memory_space<vmem>>[vector<16xi32>], vector<16xf32>,
      tpu.vector_store_idx %arg7[%parallel_loop3A_38], %parallel_loop3A_39 {add = true} : memref<40960xf32, #tpu.memory_space<vmem>>[vector<16xi32>], vector<16xf32>,
      %parallel_loop3A_40 = arith.constant 2 : i32
      %parallel_loop3A_41 = vector.broadcast %parallel_loop3A_40 : i32 to vector<16xi32>
      %parallel_loop3A_42 = arith.addi %parallel_loop3A_28, %parallel_loop3A_41 : vector<16xi32>
      %parallel_loop3A_43 = arith.constant 2 : i32
      %parallel_loop3A_44 = vector.broadcast %parallel_loop3A_43 : i32 to vector<16xi32>
      %parallel_loop3A_45 = arith.addi %parallel_loop3A_31, %parallel_loop3A_44 : vector<16xi32>
      %parallel_loop3A_46 = tpu.vector_load_idx %arg6[%parallel_loop3A_42] : memref<40000xf32, #tpu.memory_space<vmem>>[vector<16xi32>], vector<16xf32>,
      tpu.vector_store_idx %arg7[%parallel_loop3A_45], %parallel_loop3A_46 {add = true} : memref<40960xf32, #tpu.memory_space<vmem>>[vector<16xi32>], vector<16xf32>,
      %parallel_loop3A_47 = arith.constant 3 : i32
      %parallel_loop3A_48 = vector.broadcast %parallel_loop3A_47 : i32 to vector<16xi32>
      %parallel_loop3A_49 = arith.addi %parallel_loop3A_28, %parallel_loop3A_48 : vector<16xi32>
      %parallel_loop3A_50 = arith.constant 3 : i32
      %parallel_loop3A_51 = vector.broadcast %parallel_loop3A_50 : i32 to vector<16xi32>
      %parallel_loop3A_52 = arith.addi %parallel_loop3A_31, %parallel_loop3A_51 : vector<16xi32>
      %parallel_loop3A_53 = tpu.vector_load_idx %arg6[%parallel_loop3A_49] : memref<40000xf32, #tpu.memory_space<vmem>>[vector<16xi32>], vector<16xf32>,
      tpu.vector_store_idx %arg7[%parallel_loop3A_52], %parallel_loop3A_53 {add = true} : memref<40960xf32, #tpu.memory_space<vmem>>[vector<16xi32>], vector<16xf32>,
    } {sc.loop_unroll_factor = 4 : i64, sc.parallel_access}
    %mul3A_15 = arith.constant 40960 : i32
    %mul3A_16 = arith.muli %add3A, %mul3A_15 : i32
    "tpu.region"() ({
      %run_scoped3A = tpu.sem_alloc : memref<!tpu.dma_semaphore, #tpu.memory_space<semaphore_mem>>
      %dma_start3A_17 = tpu.memref_slice %arg5[%mul3A_16] : memref<1310720xf32, #tpu.memory_space<hbm>> -> memref<40960xf32, #tpu.memory_space<hbm>>
      %dma_start3A_18 = tpu.memref_slice %arg5[%mul3A_16] : memref<1310720xf32, #tpu.memory_space<hbm>> -> memref<40960xf32, #tpu.memory_space<hbm>>
      tpu.enqueue_dma source(%arg7 : memref<40960xf32, #tpu.memory_space<vmem>>) target(%dma_start3A_18 : memref<40960xf32, #tpu.memory_space<hbm>>) target_semaphore(%run_scoped3A : memref<!tpu.dma_semaphore, #tpu.memory_space<semaphore_mem>>)
      %dma_wait3A_19 = tpu.memref_slice %arg5[%mul3A_16] : memref<1310720xf32, #tpu.memory_space<hbm>> -> memref<40960xf32, #tpu.memory_space<hbm>>
      %dma_wait3A_20 = tpu.memref_slice %arg5[%mul3A_16] : memref<1310720xf32, #tpu.memory_space<hbm>> -> memref<40960xf32, #tpu.memory_space<hbm>>
      tpu.wait_dma2 semaphore(%run_scoped3A : memref<!tpu.dma_semaphore, #tpu.memory_space<semaphore_mem>>) src(%arg7 : memref<40960xf32, #tpu.memory_space<vmem>>) dst(%dma_wait3A_20 : memref<40960xf32, #tpu.memory_space<hbm>>)
      tpu.yield
    }) : () -> ()
    return
  }
}

module attributes {stable_mosaic.version = 14 : i64} {
  func.func @_project_body(%arg0: memref<10000x128xf32, #tpu.memory_space<vmem>>, %arg1: memref<128x96xf32, #tpu.memory_space<vmem>>, %arg2: memref<1x96xf32, #tpu.memory_space<vmem>>, %arg3: memref<1x96xf32, #tpu.memory_space<vmem>>, %arg4: memref<96x64xf32, #tpu.memory_space<vmem>>, %arg5: memref<1x64xf32, #tpu.memory_space<vmem>>, %arg6: memref<1x64xf32, #tpu.memory_space<vmem>>, %arg7: memref<64x4xf32, #tpu.memory_space<vmem>>, %arg8: memref<10000x4xf32, #tpu.memory_space<vmem>>, %arg9: memref<1x4xf32, #tpu.memory_space<vmem>>) attributes {dimension_semantics = [], scalar_prefetch = 0 : i64, scratch_operands = 0 : i64, tpu.core_type = #tpu.core_type<tc>} {
    %get3A = arith.constant 0 : index
    %get3A_0 = arith.constant 0 : index
    %get3A_1 = vector.load %arg1[%get3A, %get3A_0] : memref<128x96xf32, #tpu.memory_space<vmem>>, vector<128x96xf32>
    %get3A_2 = arith.constant 0 : index
    %get3A_3 = arith.constant 0 : index
    %get3A_4 = vector.load %arg3[%get3A_2, %get3A_3] : memref<1x96xf32, #tpu.memory_space<vmem>>, vector<1x96xf32>
    %mul3A = vector.broadcast %get3A_4 : vector<1x96xf32> to vector<128x96xf32>
    %mul3A_5 = arith.mulf %get3A_1, %mul3A : vector<128x96xf32>
    %get3A_6 = arith.constant 0 : index
    %get3A_7 = arith.constant 0 : index
    %get3A_8 = vector.load %arg4[%get3A_6, %get3A_7] : memref<96x64xf32, #tpu.memory_space<vmem>>, vector<96x64xf32>
    %dot_general3A = arith.constant dense<0.000000e+00> : vector<128x64xf32>
    %dot_general3A_9 = tpu.matmul %mul3A_5, %get3A_8, %dot_general3A {dimension_numbers = #tpu.dot_dimension_numbers<[1], [0], [0], [1], [0, 0, 1, 1], [], []>, transpose_lhs_hint = false} : vector<128x96xf32>, vector<96x64xf32>, vector<128x64xf32> -> vector<128x64xf32>
    %get3A_10 = arith.constant 0 : index
    %get3A_11 = arith.constant 0 : index
    %get3A_12 = vector.load %arg6[%get3A_10, %get3A_11] : memref<1x64xf32, #tpu.memory_space<vmem>>, vector<1x64xf32>
    %mul3A_13 = vector.broadcast %get3A_12 : vector<1x64xf32> to vector<128x64xf32>
    %mul3A_14 = arith.mulf %dot_general3A_9, %mul3A_13 : vector<128x64xf32>
    %get3A_15 = arith.constant 0 : index
    %get3A_16 = arith.constant 0 : index
    %get3A_17 = vector.load %arg7[%get3A_15, %get3A_16] : memref<64x4xf32, #tpu.memory_space<vmem>>, vector<64x4xf32>
    %dot_general3A_18 = arith.constant dense<0.000000e+00> : vector<128x4xf32>
    %dot_general3A_19 = tpu.matmul %mul3A_14, %get3A_17, %dot_general3A_18 {dimension_numbers = #tpu.dot_dimension_numbers<[1], [0], [0], [1], [0, 0, 1, 1], [], []>, transpose_lhs_hint = false} : vector<128x64xf32>, vector<64x4xf32>, vector<128x4xf32> -> vector<128x4xf32>
    %get3A_20 = arith.constant 0 : index
    %get3A_21 = arith.constant 0 : index
    %get3A_22 = vector.load %arg2[%get3A_20, %get3A_21] : memref<1x96xf32, #tpu.memory_space<vmem>>, vector<1x96xf32>
    %get3A_23 = arith.constant 0 : index
    %get3A_24 = arith.constant 0 : index
    %get3A_25 = vector.load %arg3[%get3A_23, %get3A_24] : memref<1x96xf32, #tpu.memory_space<vmem>>, vector<1x96xf32>
    %mul3A_26 = arith.mulf %get3A_22, %get3A_25 : vector<1x96xf32>
    %get3A_27 = arith.constant 0 : index
    %get3A_28 = arith.constant 0 : index
    %get3A_29 = vector.load %arg4[%get3A_27, %get3A_28] : memref<96x64xf32, #tpu.memory_space<vmem>>, vector<96x64xf32>
    %dot_general3A_30 = arith.constant dense<0.000000e+00> : vector<1x64xf32>
    %dot_general3A_31 = tpu.matmul %mul3A_26, %get3A_29, %dot_general3A_30 {dimension_numbers = #tpu.dot_dimension_numbers<[1], [0], [0], [1], [0, 0, 1, 1], [], []>, transpose_lhs_hint = false} : vector<1x96xf32>, vector<96x64xf32>, vector<1x64xf32> -> vector<1x64xf32>
    %get3A_32 = arith.constant 0 : index
    %get3A_33 = arith.constant 0 : index
    %get3A_34 = vector.load %arg6[%get3A_32, %get3A_33] : memref<1x64xf32, #tpu.memory_space<vmem>>, vector<1x64xf32>
    %mul3A_35 = arith.mulf %dot_general3A_31, %get3A_34 : vector<1x64xf32>
    %get3A_36 = arith.constant 0 : index
    %get3A_37 = arith.constant 0 : index
    %get3A_38 = vector.load %arg7[%get3A_36, %get3A_37] : memref<64x4xf32, #tpu.memory_space<vmem>>, vector<64x4xf32>
    %dot_general3A_39 = arith.constant dense<0.000000e+00> : vector<1x4xf32>
    %dot_general3A_40 = tpu.matmul %mul3A_35, %get3A_38, %dot_general3A_39 {dimension_numbers = #tpu.dot_dimension_numbers<[1], [0], [0], [1], [0, 0, 1, 1], [], []>, transpose_lhs_hint = false} : vector<1x64xf32>, vector<64x4xf32>, vector<1x4xf32> -> vector<1x4xf32>
    %get3A_41 = arith.constant 0 : index
    %get3A_42 = arith.constant 0 : index
    %get3A_43 = vector.load %arg0[%get3A_41, %get3A_42] : memref<10000x128xf32, #tpu.memory_space<vmem>>, vector<10000x128xf32>
    %dot_general3A_44 = arith.constant dense<0.000000e+00> : vector<10000x4xf32>
    %dot_general3A_45 = tpu.matmul %get3A_43, %dot_general3A_19, %dot_general3A_44 {dimension_numbers = #tpu.dot_dimension_numbers<[1], [0], [0], [1], [0, 0, 1, 1], [], []>, transpose_lhs_hint = false} : vector<10000x128xf32>, vector<128x4xf32>, vector<10000x4xf32> -> vector<10000x4xf32>
    %add3A = vector.broadcast %dot_general3A_40 : vector<1x4xf32> to vector<10000x4xf32>
    %add3A_46 = arith.addf %dot_general3A_45, %add3A : vector<10000x4xf32>
    %swap3A = arith.constant 0 : index
    %swap3A_47 = arith.constant 0 : index
    %swap3A_48 = vector.load %arg8[%swap3A, %swap3A_47] : memref<10000x4xf32, #tpu.memory_space<vmem>>, vector<10000x4xf32>
    tpu.vector_store %arg8[%swap3A, %swap3A_47], %add3A_46 {strides = array<i32>} : memref<10000x4xf32, #tpu.memory_space<vmem>>, vector<10000x4xf32>,
    %get3A_49 = arith.constant 0 : index
    %get3A_50 = arith.constant 0 : index
    %get3A_51 = vector.load %arg5[%get3A_49, %get3A_50] : memref<1x64xf32, #tpu.memory_space<vmem>>, vector<1x64xf32>
    %get3A_52 = arith.constant 0 : index
    %get3A_53 = arith.constant 0 : index
    %get3A_54 = vector.load %arg6[%get3A_52, %get3A_53] : memref<1x64xf32, #tpu.memory_space<vmem>>, vector<1x64xf32>
    %mul3A_55 = arith.mulf %get3A_51, %get3A_54 : vector<1x64xf32>
    %get3A_56 = arith.constant 0 : index
    %get3A_57 = arith.constant 0 : index
    %get3A_58 = vector.load %arg7[%get3A_56, %get3A_57] : memref<64x4xf32, #tpu.memory_space<vmem>>, vector<64x4xf32>
    %dot_general3A_59 = arith.constant dense<0.000000e+00> : vector<1x4xf32>
    %dot_general3A_60 = tpu.matmul %mul3A_55, %get3A_58, %dot_general3A_59 {dimension_numbers = #tpu.dot_dimension_numbers<[1], [0], [0], [1], [0, 0, 1, 1], [], []>, transpose_lhs_hint = false} : vector<1x64xf32>, vector<64x4xf32>, vector<1x4xf32> -> vector<1x4xf32>
    %swap3A_61 = arith.constant 0 : index
    %swap3A_62 = arith.constant 0 : index
    %swap3A_63 = vector.load %arg9[%swap3A_61, %swap3A_62] : memref<1x4xf32, #tpu.memory_space<vmem>>, vector<1x4xf32>
    tpu.vector_store %arg9[%swap3A_61, %swap3A_62], %dot_general3A_60 {strides = array<i32>} : memref<1x4xf32, #tpu.memory_space<vmem>>, vector<1x4xf32>,
    return
  }
}

module attributes {stable_mosaic.version = 14 : i64} {
  func.func @_combine_body(%arg0: i32, %arg1: memref<163840xf32, #tpu.memory_space<vmem>>, %arg2: memref<40960xf32, #tpu.memory_space<vmem>>) attributes {dimension_semantics = [#tpu.dimension_semantics<arbitrary>], iteration_bounds = array<i64: 8>, scalar_prefetch = 0 : i64, scratch_operands = 0 : i64, tpu.core_type = #tpu.core_type<tc>, window_params = [{transform_indices = @transform_0, window_bounds = array<i64: 163840>}, {pipeline_mode = #tpu.pipeline_mode<synchronous>, transform_indices = @transform_1, window_bounds = array<i64: 40960>}]} {
    %get3A = arith.constant 0 : index
    %get3A_0 = vector.load %arg1[%get3A] : memref<163840xf32, #tpu.memory_space<vmem>>, vector<40960xf32>
    %get3A_1 = arith.constant 40960 : index
    %get3A_2 = vector.load %arg1[%get3A_1] : memref<163840xf32, #tpu.memory_space<vmem>>, vector<40960xf32>
    %add3A = arith.addf %get3A_0, %get3A_2 : vector<40960xf32>
    %get3A_3 = arith.constant 81920 : index
    %get3A_4 = vector.load %arg1[%get3A_3] : memref<163840xf32, #tpu.memory_space<vmem>>, vector<40960xf32>
    %add3A_5 = arith.addf %add3A, %get3A_4 : vector<40960xf32>
    %get3A_6 = arith.constant 122880 : index
    %get3A_7 = vector.load %arg1[%get3A_6] : memref<163840xf32, #tpu.memory_space<vmem>>, vector<40960xf32>
    %add3A_8 = arith.addf %add3A_5, %get3A_7 : vector<40960xf32>
    %eq3A = arith.constant 0 : i32
    %eq3A_9 = arith.cmpi eq, %arg0, %eq3A : i32
    %convert_element_type3A = arith.extui %eq3A_9 : i1 to i32
    %cond3A = arith.constant 0 : i32
    %cond3A_10 = arith.cmpi ne, %convert_element_type3A, %cond3A : i32
    scf.if %cond3A_10 {
      %broadcast_in_dim3A = arith.constant 0.000000e+00 : f32
      %broadcast_in_dim3A_15 = vector.broadcast %broadcast_in_dim3A : f32 to vector<40960xf32>
      %swap3A_16 = arith.constant 0 : index
      %swap3A_17 = vector.load %arg2[%swap3A_16] : memref<40960xf32, #tpu.memory_space<vmem>>, vector<40960xf32>
      tpu.vector_store %arg2[%swap3A_16], %broadcast_in_dim3A_15 {strides = array<i32>} : memref<40960xf32, #tpu.memory_space<vmem>>, vector<40960xf32>,
    } else {
    }
    %get3A_11 = arith.constant 0 : index
    %get3A_12 = vector.load %arg2[%get3A_11] : memref<40960xf32, #tpu.memory_space<vmem>>, vector<40960xf32>
    %add3A_13 = arith.addf %get3A_12, %add3A_8 : vector<40960xf32>
    %swap3A = arith.constant 0 : index
    %swap3A_14 = vector.load %arg2[%swap3A] : memref<40960xf32, #tpu.memory_space<vmem>>, vector<40960xf32>
    tpu.vector_store %arg2[%swap3A], %add3A_13 {strides = array<i32>} : memref<40960xf32, #tpu.memory_space<vmem>>, vector<40960xf32>,
    return
  }
  func.func @transform_0(%arg0: i32) -> i32 {
    %c0_i32 = arith.constant 0 : i32
    return %arg0 : i32
  }
  func.func @transform_1(%arg0: i32) -> i32 {
    %c0_i32 = arith.constant 0 : i32
    %c0_i32_0 = arith.constant 0 : i32
    return %c0_i32 : i32
  }
}

</mosaic_0001>

<sc_bundles>
// kernel: kernel.10.cloned.1.call-start
scs
__scs_entry_jumppad:
0x0: {  	(pc) =	sbr.rel $0x88, $3  }
0x1: {  	(tag) =	ssettag $0x0;
	lr =	simm.s32 $0x1  }
0x2: {  	[smem:$0x3F97] =	sst lr;
	_ =	strace $0xD0000000  }
0x3: {  	_ = 	snop  }
0x4: {  	_ = 	snop  }
0x5: {  	_ = 	snop  }
0x6: {  	_ = 	snop  }
0x7: {  	_ = 	snop  }
__scs_overlays_trampoline_lowered:
0x8: {  	[smem:$0x3FA6] =	sst s0  }
0x9: {  	[smem:$0x3FA7] =	sst s1  }
0xa: {  	[smem:$0x3FA8] =	sst s2  }
0xb: {  	[smem:$0x3FA9] =	sst s3  }
0xc: {  	[smem:$0x3FAA] =	sst s4  }
0xd: {  	[smem:$0x3FAB] =	sst s5  }
0xe: {  	[smem:$0x3FAC] =	sst s6  }
0xf: {  	[smem:$0x3FAD] =	sst s7  }
0x10: {  	[smem:$0x3FAE] =	sst s8  }
0x11: {  	[smem:$0x3FAF] =	sst s9;
	s0 =	simm.s32 @!p0 $0x0  }
0x12: {  	s1 =	sld [smem:$0x3F95];
	s0 =	simm.s32 @p0 $0x1  }
0x13: {  	[smem:$0x3FB0] =	sst s0;
	s0 =	simm.s32 @!p1 $0x0  }
0x14: {  	s2 =	sld [smem:$0x3F94];
	s0 =	simm.s32 @p1 $0x1  }
0x15: {  	[smem:$0x3FB1] =	sst s0;
	s0 =	simm.s32 @!p2 $0x0  }
0x16: {  	s3 =	sld [smem:$0x3FDB];
	s0 =	simm.s32 @p2 $0x1  }
0x17: {  	s4 =	simm.s32 $0x1BF5;
	[smem:$0x3FB3] =	sst s0  }
0x18: {  	s0 =	sld [smem:$0x3F96];
	_ =	swait.ge [sflag:s4], $0x0  }
0x19: {  	s7 =	sld [smem:$0x3F97]  }
0x1a: {  	s8 =	sadd.s32 $0xFFFFE003, lr  }
0x1b: {  	s9 =	sadd.s32 $0xFFFFFEF7, lr;
	s5 =	simm.s32 $0xFFFFFFFF;
	p2 =	slt.u32 s8, $0xFFFFF086  }
0x1c: {  	p1 =	slt.u32 s9, $0xF7A;
	s5 =	simm.s32 @!p2 $0x0  }
0x1d: {  	s5 =	simm.s32 @p1 $0x1;
	p0 =	seq.s32 s7, s2  }
0x1e: {  	s7 =	smul.u32 @!p0 $0xF7A, s2;
	p2 =	seq.s32 @!p0 s5, $0x0  }
0x1f: {  	s9 =	smul.u32 $0xF7A, s1;
	s8 =	simm.s32 @!p0 $0x1BF5;
	p2 =	por !p2, p0  }
0x20: {  	[sflag:s8] =	ssyncset.s32 @!p0 $0xFFFFF086;
	s6 =	sadd.s32 @!p0 s3, s7;
	s7 =	simm.s32 @!p0 $0x108  }
0x21: {  	s3 =	sadd.s32 s3, s9;
	s6 =	sadd.s32 @!p0 $0x88, s6;
	s7 =	simm.s32 @p2 $0x1082  }
0x22: {  	[simem:s7], [sflag:s8] =	dma.local @!p0 [hbm:s6], $0xF7A  }
0x23: {  	s9 =	sor.u32 $0xD0000000, s2;
	s6 =	simm.s32 $0x108;
	_ =	swait.ge @!p0 [sflag:s8], $0x0  }
0x24: {  	s3 =	sadd.s32 $0x88, s3;
	s6 =	simm.s32 @!p1 $0x1082;
	[sflag:s4] =	ssyncset.s32 $0xFFFFF086  }
0x25: {  	[simem:s6], [sflag:s4] =	dma.local [hbm:s3], $0xF7A  }
0x26: {  	[smem:$0x3F97] =	sst s1;
	(tag) =	ssettag s2;
	_ =	strace s9  }
0x27: {  	s1 =	sld [smem:$0x3FA7]  }
0x28: {  	s2 =	sld [smem:$0x3FA8]  }
0x29: {  	s4 =	sld [smem:$0x3FAA]  }
0x2a: {  	p0 =	seq.s32 s5, $0x0;
	s5 =	sld [smem:$0x3FAB]  }
0x2b: {  	s6 =	sld [smem:$0x3FAC]  }
0x2c: {  	s7 =	sld [smem:$0x3FAD]  }
0x2d: {  	s3 =	simm.s32 $0x108;
	s8 =	sld [smem:$0x3FAE]  }
0x2e: {  	s3 =	simm.s32 @!p0 $0x1082;
	s9 =	sld [smem:$0x3FAF]  }
0x2f: {  	lr =	sadd.s32 s0, s3;
	s0 =	sld [smem:$0x3FA6]  }
0x30: {  	s3 =	sld [smem:$0x3FA9]  }
0x31: {  	[smem:$0x3FB2] =	sst s10  }
0x32: {  	s10 =	sld [smem:$0x3FB0];
	_ =	sdelay $0x3  }
0x33: {  	p0 =	seq.s32 s10, $0x1;
	s10 =	sld [smem:$0x3FB2];
	_ =	sdelay $0x3  }
0x34: {  	[smem:$0x3FB2] =	sst s10  }
0x35: {  	s10 =	sld [smem:$0x3FB1];
	_ =	sdelay $0x3  }
0x36: {  	p1 =	seq.s32 s10, $0x1;
	s10 =	sld [smem:$0x3FB2];
	_ =	sdelay $0x3  }
0x37: {  	[smem:$0x3FB2] =	sst s10  }
0x38: {  	s10 =	sld [smem:$0x3FB3]  }
0x39: {  	_ = 	snop;
	(pc) =	sbr.ind lr, $3  }
0x3a: {  	_ = 	snop  }
0x3b: {  	_ = 	snop  }
0x3c: {  	p2 =	seq.s32 s10, $0x1;
	s10 =	sld [smem:$0x3FB2]  }
0x3d: {  	_ =	shalt  }
0x3e: {  	_ =	shalt  }
0x3f: {  	_ =	shalt  }
0x40: {  	_ =	shalt  }
0x41: {  	_ =	shalt  }
0x42: {  	_ =	shalt  }
0x43: {  	_ =	shalt  }
0x44: {  	_ =	shalt  }
0x45: {  	_ =	shalt  }
0x46: {  	_ =	shalt  }
0x47: {  	_ =	shalt  }
0x48: {  	_ =	shalt  }
0x49: {  	_ =	shalt  }
0x4a: {  	_ =	shalt  }
0x4b: {  	_ =	shalt  }
0x4c: {  	_ =	shalt  }
0x4d: {  	_ =	shalt  }
0x4e: {  	_ =	shalt  }
0x4f: {  	_ =	shalt  }
0x50: {  	_ =	shalt  }
0x51: {  	_ =	shalt  }
0x52: {  	_ =	shalt  }
0x53: {  	_ =	shalt  }
0x54: {  	_ =	shalt  }
0x55: {  	_ =	shalt  }
0x56: {  	_ =	shalt  }
0x57: {  	_ =	shalt  }
0x58: {  	_ =	shalt  }
0x59: {  	_ =	shalt  }
0x5a: {  	_ =	shalt  }
0x5b: {  	_ =	shalt  }
0x5c: {  	_ =	shalt  }
0x5d: {  	_ =	shalt  }
0x5e: {  	_ =	shalt  }
0x5f: {  	_ =	shalt  }
0x60: {  	_ =	shalt  }
0x61: {  	_ =	shalt  }
0x62: {  	_ =	shalt  }
0x63: {  	_ =	shalt  }
0x64: {  	_ =	shalt  }
0x65: {  	_ =	shalt  }
0x66: {  	_ =	shalt  }
0x67: {  	_ =	shalt  }
0x68: {  	_ =	shalt  }
0x69: {  	_ =	shalt  }
0x6a: {  	_ =	shalt  }
0x6b: {  	_ =	shalt  }
0x6c: {  	_ =	shalt  }
0x6d: {  	_ =	shalt  }
0x6e: {  	_ =	shalt  }
0x6f: {  	_ =	shalt  }
0x70: {  	_ =	shalt  }
0x71: {  	_ =	shalt  }
0x72: {  	_ =	shalt  }
0x73: {  	_ =	shalt  }
0x74: {  	_ =	shalt  }
0x75: {  	_ =	shalt  }
0x76: {  	_ =	shalt  }
0x77: {  	_ =	shalt  }
0x78: {  	_ =	shalt  }
0x79: {  	_ =	shalt  }
0x7a: {  	_ =	shalt  }
0x7b: {  	_ =	shalt  }
0x7c: {  	_ =	shalt  }
0x7d: {  	_ =	shalt  }
0x7e: {  	_ =	shalt  }
0x7f: {  	_ =	shalt  }
0x80: {  	_ =	shalt  }
0x81: {  	_ =	shalt  }
0x82: {  	_ =	shalt  }
0x83: {  	_ =	shalt  }
0x84: {  	_ =	shalt  }
0x85: {  	_ =	shalt  }
0x86: {  	_ =	shalt  }
0x87: {  	_ =	shalt  }
.Lfunc_end0:
.L_simem_size_0:
called_computation.1_lowered:
.L_overlay_start_0:
0x88: {  	s2 =	sld [smem:$0x3FD9]  }
0x89: {  	s3 =	sld [smem:$0x3FFE];
	_ =	sdelay $0x1  }
0x8a: {  	s1 =	srdreg.scid  }
0x8b: {  	s0 =	sand.u32 $0x1, s1  }
0x8c: {  	s16 =	sshll.u32 s0, $0xA;
	s2 =	sadd.s32 s3, s2  }
0x8d: {  	s2 =	sadd.s32 s2, s16  }
0x8e: {  	[smem:$0x3FBE] =	sst s2  }
0x8f: {  	_ = 	snop  }
0x90: {  	(tm) =	ssettm $0x1  }
0x91: {  	s17 =	sld [smem:$0x3FFB];
	_ =	sdelay $0x3  }
0x92: {  	_ =	strace s17  }
0x93: {  	s2 =	sld [smem:$0x3FFC];
	_ =	sdelay $0x3  }
0x94: {  	_ =	strace s2  }
0x95: {  	s2 =	sld [smem:$0x3FFD];
	_ =	sdelay $0x3  }
0x96: {  	_ =	strace s2  }
0x97: {  	_ =	strace $0x8FFFFFFF  }
0x98: {  	s18 =	sld [smem:$0x3FDB];
	_ =	sdelay $0x1  }
0x99: {  	s19 =	simm.s32 $_scs_section_size  }
0x9a: {  	s4 =	simm.s32 $_size__tile_overlayer_lowered;
	s5 =	simm.s32 $_tile_overlayer_lowered  }
0x9b: {  	s22 =	simm.s32 $0x1BFF;
	s21 =	sshll.u32 s5, $0x1;
	s2 =	sadd.s32 s19, s18  }
0x9c: {  	s6 =	simm.s32 $0x0;
	s20 =	sshll.u32 s4, $0x1;
	s4 =	sadd.s32 s21, s2  }
0x9d: {  	[timem:s6], [sflag:s22] =	dma.local [hbm:s4], s20  }
0x9e: {  	_ =	swait.ge [sflag:s22], s20  }
0x9f: {  	s3 =	ssub.s32 $0x0, s20;
	[sflag:s22] =	ssyncset.done $0x0  }
0xa0: {  	[sflag:s22] =	ssyncadd.s32 s3;
	_ =	sdelay $0x1  }
0xa1: {  	s23 =	simm.s32 $0x1B8B  }
0xa2: {  	_ =	swait.ge [sflag:s23], $0x1  }
0xa3: {  	[sflag:s23] =	ssyncset.done $0x0  }
0xa4: {  	s25 =	simm.s32 $0x1B8E;
	s24 =	sld [smem:$0x3FFE];
	[sflag:s23] =	ssyncadd.s32 $0xFFFFFFFF  }
0xa5: {  	s26 =	simm.s32 $execute0_lowered;
	[smem:$0x3FD2] =	sst s25  }
0xa6: {  	s4 =	sshll.u32 s26, $0x1;
	_ =	strace $0x80000049;
	[dreg:$0x1] =	wrdreg $0xFFFFFFFF  }
0xa7: {  	s28 =	simm.s32 $_size_execute0_lowered;
	s2 =	sadd.s32 s2, s4;
	[dreg:$0x0] =	wrdreg $0x0  }
0xa8: {  	s4 =	sshll.u32 s28, $0x1;
	[dreg:$0x2] =	wrdreg s2  }
0xa9: {  	[dreg:$0x3] =	wrdreg s4  }
0xaa: {  	[dreg:$0x4] =	wrdreg $0xC0  }
0xab: {  	_ =	task [dreg:s6], $0x5FFFF  }
0xac: {  	[dreg:$0x1] =	wrdreg $0xFFFFFFFF  }
0xad: {  	[dreg:$0x0] =	wrdreg $0x60  }
0xae: {  	[dreg:$0x2] =	wrdreg s24  }
0xaf: {  	[dreg:$0x3] =	wrdreg $0x9  }
0xb0: {  	_ =	task.clear_ibuf [dreg:s6], $0x4FFFF;
	_ =	strace $0x90000049  }
0xb1: {  	s29 =	simm.s32 $0x9;
	_ =	strace $0x8000004B  }
0xb2: {  	_ =	swait.ge [sflag:s29], $0x1  }
0xb3: {  	[sflag:s29] =	ssyncadd.s32 $0xFFFFFFFF  }
0xb4: {  	_ =	strace $0x9000004B  }
0xb5: {  	_ =	sfence  }
0xb6: {  	s30 =	sld [smem:$0x0];
	_ =	sdelay $0x2  }
0xb7: {  	s31 =	sshll.u32 s1, $0xD;
	s1 =	sshrl.u32 s1, $0x2  }
0xb8: {  	s3 =	sand.u32 $0x4000, s31;
	s1 =	sadd.s32 s1, s30  }
0xb9: {  	s0 =	sor.u32 s3, s0;
	s1 =	sshll.u32 s1, $0x11  }
0xba: {  	s0 =	sor.u32 s1, s0  }
0xbb: {  	s0 =	sadd.s32 $0x8F2B, s0  }
0xbc: {  	[sflag:s0] =	ssyncadd.remote.s32 $0x1  }
0xbd: {  	_ =	sfence.sel $0xFFFF  }
0xbe: {  	[dreg:$0x0] =	wrdreg $0xFFFFFFFF;
	(pc) =	sbr.abs _section_cstart, $3  }
0xbf: {  	[dreg:$0x1] =	wrdreg $0xFFFFFFFF  }
0xc0: {  	_ =	task.clear_ibuf [dreg:s6], $0x2FFFF;
	_ =	strace $0x9FFFFFFF  }
0xc1: {  	(tm) =	ssettm $0x7FFFFFFF  }
tec
execute0_lowered:
.L_overlay_start_1:
0x0: {  	(tag) =	ssettag $0x1  }
0x1: {  	s1 =	srdreg.scid  }
0x2: {  	s0 =	stileid.u32;
	s4 =	rddreg [dreg:$0x0];
	s2 =	simm.s32 $0x0  }
0x3: {  	s10 =	simm.s32 $0x1;
	s11 =	simm.s32 $0x9C80;
	s12 =	simm.s32 $0x2  }
0x4: {  	s3 =	sand.u32 $0x1, s1;
	s5 =	sshll.u32 s0, $0x1;
	s1 =	rddreg [dreg:$0x1]  }
0x5: {  	s13 =	simm.s32 $0x0;
	[smem:$0x7FF] =	sst s2;
	s5 =	sor.u32 s3, s5  }
0x6: {  	_ =	strace $0x8000004A;
	s7 =	ssub.s32 $0x2, s3;
	s6 =	smul.u32 $0x4E2, s5  }
0x7: {  	s3 =	sadd.s32 $0x15400, s4;
	s5 =	smul.u32 $0x1400, s5;
	s8 =	sshrl.u32 s7, $0x1  }
0x8: {  	s7 =	ssub.s32 s7, s8;
	s8 =	simm.s32 $0x13C80;
	s6 =	sadd.s32 s6, s4  }
0x9: {  	s9 =	sadd.s32 s5, s4;
	s7 =	smax.u32 s7, $0x1;
	s4 =	sadd.s32 $0xB600, s6  }
0xa: {  	v0 =	vimm.f32 $0.0e+00;
	s5 =	sadd.s32 $0x1800, s6;
	s6 =	sadd.s32 $0x16800, s9;
	s9 =	simm.s32 $0x16400  }
.LBB2_1:
0xb: {  	[tilespmem:s8], [sflag:$0x1] =	stream.linear.gather [hbm4b:s4+s2], $0x2710, $0x38;
	[tilespmem:$0x18B80] =	vst v63  }
0xc: {  	_ = 	snop  }
0xd: {  	[tilespmem:s9], [sflag:$0x1] =	stream.linear.gather [hbm4b:s5+s2], $0x2710, $0x38;
	[tilespmem:$0x18B80] =	vst v63  }
0xe: {  	s14 =	simm.s32 $0x9CC0  }
0xf: {  	[tilespmem:s2], [sflag:$0x1] =	stream.linear.gather [hbm4b:s3+s2], $0x9C80, $0x38;
	[tilespmem:$0x18B80] =	vst v63  }
0x10: {  	[tilespmem:s14+$0xFFFFFFC0] =	vst v0  }
0x11: {  	[tilespmem:s14+$0x30] =	vst v0  }
0x12: {  	[tilespmem:s14+$0x20] =	vst v0  }
0x13: {  	[tilespmem:s14+$0x10] =	vst v0  }
0x14: {  	[tilespmem:s14+$0x0] =	vst v0  }
0x15: {  	[tilespmem:s14+$0xFFFFFFF0] =	vst v0  }
0x16: {  	s15 =	simm.s32 $0x0;
	[tilespmem:s14+$0xFFFFFFE0] =	vst v0  }
.LBB2_2:
0x17: {  	s15 =	sadd.s32 $0x8, s15;
	[tilespmem:s14+$0xFFFFFFD0] =	vst v0;
	s14 =	sadd.s32 $0x80, s14  }
0x18: {  	[tilespmem:s14+$0xFFFFFFC0] =	vst v0;
	p0 =	slt.u32 s15, $0x9F8  }
0x19: {  	[tilespmem:s14+$0x30] =	vst v0  }
.Ltmp0:
0x1a: {  	[tilespmem:s14+$0x20] =	vst v0;
	(pc) =	sbr.rel @p0 .LBB2_2-.Ltmp0, $4  }
0x1b: {  	[tilespmem:s14+$0x10] =	vst v0  }
0x1c: {  	[tilespmem:s14+$0x0] =	vst v0  }
0x1d: {  	[tilespmem:s14+$0xFFFFFFF0] =	vst v0  }
0x1e: {  	[tilespmem:s14+$0xFFFFFFE0] =	vst v0  }
0x1f: {  	[tilespmem:s14+$0xFFFFFFD0] =	vst v0  }
0x20: {  	_ =	swait.ge [sflag:s10], $0x2710  }
0x21: {  	[sflag:s10] =	ssyncset.done $0x0  }
0x22: {  	[sflag:s10] =	ssyncadd.s32 $0xFFFFD8F0  }
0x23: {  	_ =	swait.ge [sflag:s10], $0x2710  }
0x24: {  	[sflag:s10] =	ssyncset.done $0x0  }
0x25: {  	[sflag:s10] =	ssyncadd.s32 $0xFFFFD8F0  }
0x26: {  	_ =	swait.ge [sflag:s10], $0x9C80  }
0x27: {  	[sflag:s10] =	ssyncset.done $0x0  }
0x28: {  	s15 =	simm.s32 $0x16420;
	[sflag:s10] =	ssyncadd.s32 $0xFFFF6380  }
0x29: {  	v1 =	vld [tilespmem:s15+$0x10]  }
0x2a: {  	v2 =	vld [tilespmem:s15+$0xFFFFFFF0];
	_ =	sdelay $0x1  }
0x2b: {  	v3 =	vld [tilespmem:s15+$0xFFFFFFE0]  }
0x2c: {  	s14 =	simm.s32 $0x13CA0;
	v4 =	vld [tilespmem:s15+$0x0]  }
0x2d: {  	v5 =	vld [tilespmem:s14+$0x10];
	v1 =	vshll.u32 v1, $0x2  }
0x2e: {  	v6 =	vld [tilespmem:s14+$0xFFFFFFF0];
	v2 =	vshll.u32 v2, $0x2;
	_ =	sdelay $0x1  }
0x2f: {  	v7 =	vld [tilespmem:s14+$0xFFFFFFE0];
	v3 =	vshll.u32 v3, $0x2  }
0x30: {  	v8 =	vld [tilespmem:s14+$0x0];
	v4 =	vshll.u32 v4, $0x2  }
0x31: {  	v5 =	vshll.u32 v5, $0x2;
	v9 =	vld.idx.msk [tilespmem:v1+s2+$0x0], $0xffff  }
0x32: {  	v12 =	vshll.u32 v6, $0x2;
	v11 =	vld.idx.msk [tilespmem:v2+s2+$0x0], $0xffff  }
0x33: {  	v10 =	vor.u32 $0x1, v1  }
0x34: {  	v7 =	vshll.u32 v7, $0x2;
	v6 =	vld.idx.msk [tilespmem:v3+s2+$0x0], $0xffff  }
0x35: {  	v14 =	vshll.u32 v8, $0x2;
	v8 =	vor.u32 $0x1, v3;
	v13 =	vld.idx.msk [tilespmem:v4+s2+$0x0], $0xffff  }
0x36: {  	[tilespmem:v5+s11+$0x0] =	vst.idx.add.f32.msk $0xffff, v9  }
0x37: {  	v9 =	vor.u32 $0x1, v2;
	[tilespmem:v12+s11+$0x0] =	vst.idx.add.f32.msk $0xffff, v11  }
0x38: {  	v11 =	vor.u32 $0x1, v5;
	v10 =	vld.idx.msk [tilespmem:v10+s2+$0x0], $0xffff  }
0x39: {  	v15 =	vor.u32 $0x1, v4;
	[tilespmem:v7+s11+$0x0] =	vst.idx.add.f32.msk $0xffff, v6  }
0x3a: {  	v59 =	vor.u32 $0x1, v7;
	v8 =	vld.idx.msk [tilespmem:v8+s2+$0x0], $0xffff  }
0x3b: {  	v6 =	vor.u32 $0x2, v1;
	[tilespmem:v14+s11+$0x0] =	vst.idx.add.f32.msk $0xffff, v13  }
0x3c: {  	v17 =	vor.u32 $0x2, v3;
	v9 =	vld.idx.msk [tilespmem:v9+s2+$0x0], $0xffff  }
0x3d: {  	v16 =	vor.u32 $0x1, v12;
	[tilespmem:v11+s11+$0x0] =	vst.idx.add.f32.msk $0xffff, v10  }
0x3e: {  	v60 =	vor.u32 $0x1, v14;
	v11 =	vld.idx.msk [tilespmem:v15+s2+$0x0], $0xffff  }
0x3f: {  	[tilespmem:v59+s11+$0x0] =	vst.idx.add.f32.msk $0xffff, v8;
	v8 =	vor.u32 $0x2, v2  }
0x40: {  	v10 =	vor.u32 $0x2, v5;
	v6 =	vld.idx.msk [tilespmem:v6+s2+$0x0], $0xffff  }
0x41: {  	v1 =	vor.u32 $0x3, v1;
	v13 =	vld.idx.msk [tilespmem:v17+s2+$0x0], $0xffff  }
0x42: {  	v61 =	vor.u32 $0x2, v7;
	[tilespmem:v16+s11+$0x0] =	vst.idx.add.f32.msk $0xffff, v9  }
0x43: {  	v3 =	vor.u32 $0x3, v3;
	[tilespmem:v60+s11+$0x0] =	vst.idx.add.f32.msk $0xffff, v11  }
0x44: {  	v9 =	vor.u32 $0x2, v4;
	v63 =	vld.idx.msk [tilespmem:v8+s2+$0x0], $0xffff  }
0x45: {  	v62 =	vor.u32 $0x2, v12;
	[tilespmem:v10+s11+$0x0] =	vst.idx.add.f32.msk $0xffff, v6  }
0x46: {  	v11 =	vor.u32 $0x3, v5;
	v10 =	vld.idx.msk [tilespmem:v1+s2+$0x0], $0xffff  }
0x47: {  	[tilespmem:v61+s11+$0x0] =	vst.idx.add.f32.msk $0xffff, v13  }
0x48: {  	v6 =	vld.idx.msk [tilespmem:v3+s2+$0x0], $0xffff  }
0x49: {  	v8 =	vld.idx.msk [tilespmem:v9+s2+$0x0], $0xffff  }
0x4a: {  	v5 =	vor.u32 $0x3, v2;
	v2 =	vor.u32 $0x3, v7;
	v7 =	vor.u32 $0x2, v14;
	[tilespmem:v62+s11+$0x0] =	vst.idx.add.f32.msk $0xffff, v63  }
0x4b: {  	s16 =	simm.s32 $0x16460;
	s15 =	simm.s32 $0x0;
	v1 =	vor.u32 $0x3, v4;
	v3 =	vor.u32 $0x3, v12;
	v4 =	vor.u32 $0x3, v14;
	[tilespmem:v11+s11+$0x0] =	vst.idx.add.f32.msk $0xffff, v10  }
.LBB2_4:
0x4c: {  	v9 =	vld [tilespmem:s16+$0x10];
	s15 =	sadd.s32 $0x4, s15  }
0x4d: {  	v10 =	vld [tilespmem:s16+$0xFFFFFFF0];
	p0 =	slt.u32 s15, $0x26C  }
0x4e: {  	v11 =	vld [tilespmem:s16+$0x0]  }
0x4f: {  	v12 =	vld [tilespmem:s16+$0xFFFFFFE0]  }
0x50: {  	[tilespmem:v7+s11+$0x0] =	vst.idx.add.f32.msk $0xffff, v8  }
0x51: {  	s14 =	sadd.s32 $0x40, s14;
	v8 =	vshll.u32 v9, $0x2;
	v9 =	vld.idx.msk [tilespmem:v5+s2+$0x0], $0xffff  }
0x52: {  	v7 =	vshll.u32 v10, $0x2;
	v10 =	vld [tilespmem:s14+$0x10]  }
0x53: {  	v13 =	vld [tilespmem:s14+$0xFFFFFFE0];
	v14 =	vor.u32 $0x1, v7;
	v15 =	vor.u32 $0x2, v7;
	v11 =	vshll.u32 v11, $0x2  }
0x54: {  	v12 =	vshll.u32 v12, $0x2;
	v16 =	vld [tilespmem:s14+$0xFFFFFFF0];
	v17 =	vor.u32 $0x1, v11;
	v18 =	vor.u32 $0x2, v11  }
0x55: {  	v19 =	vor.u32 $0x1, v12;
	v20 =	vor.u32 $0x2, v12;
	v21 =	vor.u32 $0x3, v12;
	v22 =	vld [tilespmem:s14+$0x0]  }
0x56: {  	v5 =	vor.u32 $0x3, v7;
	v23 =	vor.u32 $0x3, v11;
	v24 =	vld.idx.msk [tilespmem:v8+s2+$0x0], $0xffff  }
0x57: {  	v25 =	vld.idx.msk [tilespmem:v7+s2+$0x0], $0xffff;
	v10 =	vshll.u32 v10, $0x2  }
0x58: {  	v26 =	vor.u32 $0x1, v8;
	v13 =	vshll.u32 v13, $0x2;
	v11 =	vld.idx.msk [tilespmem:v11+s2+$0x0], $0xffff  }
0x59: {  	v12 =	vld.idx.msk [tilespmem:v12+s2+$0x0], $0xffff;
	v27 =	vor.u32 $0x1, v13;
	v28 =	vor.u32 $0x2, v13;
	v16 =	vshll.u32 v16, $0x2  }
0x5a: {  	v29 =	vor.u32 $0x1, v16;
	v30 =	vor.u32 $0x2, v16;
	v22 =	vshll.u32 v22, $0x2;
	v31 =	vld.idx.msk [tilespmem:v1+s2+$0x0], $0xffff;
	v1 =	vmovc v23  }
0x5b: {  	v23 =	vor.u32 $0x1, v22;
	v7 =	vor.u32 $0x2, v22;
	[tilespmem:v2+s11+$0x0] =	vst.idx.add.f32.msk $0xffff, v6;
	v2 =	vor.u32 $0x3, v13  }
0x5c: {  	v6 =	vor.u32 $0x3, v16;
	v32 =	vor.u32 $0x3, v22;
	[tilespmem:v10+s11+$0x0] =	vst.idx.add.f32.msk $0xffff, v24  }
0x5d: {  	v24 =	vld.idx.msk [tilespmem:v26+s2+$0x0], $0xffff  }
0x5e: {  	[tilespmem:v16+s11+$0x0] =	vst.idx.add.f32.msk $0xffff, v25;
	v16 =	vor.u32 $0x1, v10  }
0x5f: {  	[tilespmem:v13+s11+$0x0] =	vst.idx.add.f32.msk $0xffff, v12;
	v12 =	vor.u32 $0x2, v8  }
0x60: {  	[tilespmem:v22+s11+$0x0] =	vst.idx.add.f32.msk $0xffff, v11  }
0x61: {  	v11 =	vld.idx.msk [tilespmem:v19+s2+$0x0], $0xffff  }
0x62: {  	v13 =	vld.idx.msk [tilespmem:v14+s2+$0x0], $0xffff  }
0x63: {  	[tilespmem:v16+s11+$0x0] =	vst.idx.add.f32.msk $0xffff, v24  }
0x64: {  	v12 =	vld.idx.msk [tilespmem:v12+s2+$0x0], $0xffff  }
0x65: {  	v16 =	vor.u32 $0x2, v10;
	v14 =	vld.idx.msk [tilespmem:v17+s2+$0x0], $0xffff  }
0x66: {  	v8 =	vor.u32 $0x3, v8;
	[tilespmem:v3+s11+$0x0] =	vst.idx.add.f32.msk $0xffff, v9;
	v3 =	vmov v6  }
0x67: {  	[tilespmem:v27+s11+$0x0] =	vst.idx.add.f32.msk $0xffff, v11  }
0x68: {  	[tilespmem:v29+s11+$0x0] =	vst.idx.add.f32.msk $0xffff, v13  }
0x69: {  	v6 =	vld.idx.msk [tilespmem:v20+s2+$0x0], $0xffff  }
0x6a: {  	[tilespmem:v16+s11+$0x0] =	vst.idx.add.f32.msk $0xffff, v12  }
0x6b: {  	v9 =	vld.idx.msk [tilespmem:v8+s2+$0x0], $0xffff  }
0x6c: {  	v10 =	vor.u32 $0x3, v10;
	[tilespmem:v23+s11+$0x0] =	vst.idx.add.f32.msk $0xffff, v14  }
0x6d: {  	v11 =	vld.idx.msk [tilespmem:v15+s2+$0x0], $0xffff  }
0x6e: {  	v8 =	vld.idx.msk [tilespmem:v18+s2+$0x0], $0xffff  }
.Ltmp1:
0x6f: {  	[tilespmem:v28+s11+$0x0] =	vst.idx.add.f32.msk $0xffff, v6;
	(pc) =	sbr.rel @p0 .LBB2_4-.Ltmp1, $4  }
0x70: {  	v6 =	vld.idx.msk [tilespmem:v21+s2+$0x0], $0xffff  }
0x71: {  	[tilespmem:v10+s11+$0x0] =	vst.idx.add.f32.msk $0xffff, v9  }
0x72: {  	[tilespmem:v4+s11+$0x0] =	vst.idx.add.f32.msk $0xffff, v31;
	v4 =	vmov v32  }
0x73: {  	s16 =	sadd.s32 $0x40, s16;
	[tilespmem:v30+s11+$0x0] =	vst.idx.add.f32.msk $0xffff, v11  }
0x74: {  	_ =	sdelay $0x3  }
0x75: {  	[tilespmem:v7+s11+$0x0] =	vst.idx.add.f32.msk $0xffff, v8  }
0x76: {  	v5 =	vld.idx.msk [tilespmem:v5+s2+$0x0], $0xffff  }
0x77: {  	v1 =	vld.idx.msk [tilespmem:v1+s2+$0x0], $0xffff;
	_ =	sdelay $0x2  }
0x78: {  	[tilespmem:v2+s11+$0x0] =	vst.idx.add.f32.msk $0xffff, v6  }
0x79: {  	[tilespmem:v3+s11+$0x0] =	vst.idx.add.f32.msk $0xffff, v5  }
0x7a: {  	[tilespmem:v4+s11+$0x0] =	vst.idx.add.f32.msk $0xffff, v1  }
0x7b: {  	v1 =	vld [tilespmem:$0x18B00];
	_ =	sdelay $0x4  }
0x7c: {  	v2 =	vld [tilespmem:$0x16380];
	v1 =	vshll.u32 v1, $0x2;
	_ =	sdelay $0x4  }
0x7d: {  	v2 =	vshll.u32 v2, $0x2;
	v3 =	vld.idx.msk [tilespmem:v1+s2+$0x0], $0xffff  }
0x7e: {  	v60 =	vor.u32 $0x1, v1;
	_ =	sdelay $0x3  }
0x7f: {  	[tilespmem:v2+s11+$0x0] =	vst.idx.add.f32.msk $0xffff, v3  }
0x80: {  	v61 =	vor.u32 $0x1, v2;
	v3 =	vld.idx.msk [tilespmem:v60+s2+$0x0], $0xffff  }
0x81: {  	v62 =	vor.u32 $0x2, v1;
	_ =	sdelay $0x3  }
0x82: {  	[tilespmem:v61+s11+$0x0] =	vst.idx.add.f32.msk $0xffff, v3  }
0x83: {  	v63 =	vor.u32 $0x2, v2;
	v3 =	vld.idx.msk [tilespmem:v62+s2+$0x0], $0xffff  }
0x84: {  	v1 =	vor.u32 $0x3, v1;
	_ =	sdelay $0x3  }
0x85: {  	[tilespmem:v63+s11+$0x0] =	vst.idx.add.f32.msk $0xffff, v3  }
0x86: {  	v2 =	vor.u32 $0x3, v2;
	v1 =	vld.idx.msk [tilespmem:v1+s2+$0x0], $0xffff;
	_ =	sdelay $0x2  }
0x87: {  	s13 =	sadd.s32 $0x1, s13  }
0x88: {  	p0 =	sne.s32 s13, s7  }
.Ltmp2:
0x89: {  	[tilespmem:v2+s11+$0x0] =	vst.idx.add.f32.msk $0xffff, v1;
	(pc) =	sbr.rel @p0 .LBB2_1-.Ltmp2, $4  }
0x8a: {  	[hbm4b:s6+s2] =	stream.linear.scatter [tilespmem:s11], [sflag:$0x2], $0xA000, $0x38;
	[tilespmem:$0x18B80] =	vst v63  }
0x8b: {  	_ =	swait.ge [sflag:s12], $0xA000  }
0x8c: {  	[sflag:s12] =	ssyncset.done $0x0  }
0x8d: {  	[sflag:s12] =	ssyncadd.s32 $0xFFFF6000  }
0x8e: {  	_ =	sfence.sel $0x180000  }
0x8f: {  	[bflag:$0x0] =	sbarrier.arrive $0xFFFF  }
0x90: {  	p0 =	sne.s32 s0, $0x0;
	_ =	strace $0x9000004A  }
0x91: {  	s0 =	sadd.s32 @!p0 $0x100000, s1;
	[bflag:$0x2] =	sbarrier.arrive $0xFFFF  }
0x92: {  	[sflag:s0] =	ssyncadd.tile.s32 @!p0 $0x1;
	_ =	shalt  }
.Lfunc_end2:
_tile_overlayer_lowered:
.L_overlay_start_2:
0x93: {  	(tag) =	ssettag $0x2  }
0x94: {  	s0 =	rddreg [dreg:$0x0];
	s2 =	stileid.u32  }
0x95: {  	s1 =	rddreg [dreg:$0x1];
	p0 =	sne.s32 s2, $0x0  }
0x96: {  	s3 =	rddreg [dreg:$0x2];
	[bflag:$0x3] =	sbarrier.arrive $0xFFFF;
	s2 =	simm.s32 @!p0 $0x1C02  }
0x97: {  	[timem:s3], [sflag:s2] =	dma.local @!p0 [hbm:s0], s1  }
0x98: {  	s0 =	simm.s32 @!p0 $0x2  }
0x99: {  	_ =	swait.ge @!p0 [sflag:s0], s1  }
0x9a: {  	s1 =	ssub.s32 @!p0 $0x0, s1;
	[sflag:s0] =	ssyncset.done @!p0 $0x0  }
0x9b: {  	[sflag:s0] =	ssyncadd.s32 @!p0 s1  }
0x9c: {  	[bflag:$0x3] =	sbarrier.arrive $0xFFFF  }
0x9d: {  	_ =	shalt  }

// kernel: kernel.7.cloned.1.call-start
scs
__scs_entry_jumppad:
0x0: {  	(pc) =	sbr.rel $0x88, $3  }
0x1: {  	(tag) =	ssettag $0x0;
	lr =	simm.s32 $0x1  }
0x2: {  	[smem:$0x3F97] =	sst lr;
	_ =	strace $0xD0000000  }
0x3: {  	_ = 	snop  }
0x4: {  	_ = 	snop  }
0x5: {  	_ = 	snop  }
0x6: {  	_ = 	snop  }
0x7: {  	_ = 	snop  }
__scs_overlays_trampoline_lowered:
0x8: {  	[smem:$0x3FA6] =	sst s0  }
0x9: {  	[smem:$0x3FA7] =	sst s1  }
0xa: {  	[smem:$0x3FA8] =	sst s2  }
0xb: {  	[smem:$0x3FA9] =	sst s3  }
0xc: {  	[smem:$0x3FAA] =	sst s4  }
0xd: {  	[smem:$0x3FAB] =	sst s5  }
0xe: {  	[smem:$0x3FAC] =	sst s6  }
0xf: {  	[smem:$0x3FAD] =	sst s7  }
0x10: {  	[smem:$0x3FAE] =	sst s8  }
0x11: {  	[smem:$0x3FAF] =	sst s9;
	s0 =	simm.s32 @!p0 $0x0  }
0x12: {  	s1 =	sld [smem:$0x3F95];
	s0 =	simm.s32 @p0 $0x1  }
0x13: {  	[smem:$0x3FB0] =	sst s0;
	s0 =	simm.s32 @!p1 $0x0  }
0x14: {  	s2 =	sld [smem:$0x3F94];
	s0 =	simm.s32 @p1 $0x1  }
0x15: {  	[smem:$0x3FB1] =	sst s0;
	s0 =	simm.s32 @!p2 $0x0  }
0x16: {  	s3 =	sld [smem:$0x3FDB];
	s0 =	simm.s32 @p2 $0x1  }
0x17: {  	s4 =	simm.s32 $0x1BF5;
	[smem:$0x3FB3] =	sst s0  }
0x18: {  	s0 =	sld [smem:$0x3F96];
	_ =	swait.ge [sflag:s4], $0x0  }
0x19: {  	s7 =	sld [smem:$0x3F97]  }
0x1a: {  	s8 =	sadd.s32 $0xFFFFE003, lr  }
0x1b: {  	s9 =	sadd.s32 $0xFFFFFEF7, lr;
	s5 =	simm.s32 $0xFFFFFFFF;
	p2 =	slt.u32 s8, $0xFFFFF086  }
0x1c: {  	p1 =	slt.u32 s9, $0xF7A;
	s5 =	simm.s32 @!p2 $0x0  }
0x1d: {  	s5 =	simm.s32 @p1 $0x1;
	p0 =	seq.s32 s7, s2  }
0x1e: {  	s7 =	smul.u32 @!p0 $0xF7A, s2;
	p2 =	seq.s32 @!p0 s5, $0x0  }
0x1f: {  	s9 =	smul.u32 $0xF7A, s1;
	s8 =	simm.s32 @!p0 $0x1BF5;
	p2 =	por !p2, p0  }
0x20: {  	[sflag:s8] =	ssyncset.s32 @!p0 $0xFFFFF086;
	s6 =	sadd.s32 @!p0 s3, s7;
	s7 =	simm.s32 @!p0 $0x108  }
0x21: {  	s3 =	sadd.s32 s3, s9;
	s6 =	sadd.s32 @!p0 $0x88, s6;
	s7 =	simm.s32 @p2 $0x1082  }
0x22: {  	[simem:s7], [sflag:s8] =	dma.local @!p0 [hbm:s6], $0xF7A  }
0x23: {  	s9 =	sor.u32 $0xD0000000, s2;
	s6 =	simm.s32 $0x108;
	_ =	swait.ge @!p0 [sflag:s8], $0x0  }
0x24: {  	s3 =	sadd.s32 $0x88, s3;
	s6 =	simm.s32 @!p1 $0x1082;
	[sflag:s4] =	ssyncset.s32 $0xFFFFF086  }
0x25: {  	[simem:s6], [sflag:s4] =	dma.local [hbm:s3], $0xF7A  }
0x26: {  	[smem:$0x3F97] =	sst s1;
	(tag) =	ssettag s2;
	_ =	strace s9  }
0x27: {  	s1 =	sld [smem:$0x3FA7]  }
0x28: {  	s2 =	sld [smem:$0x3FA8]  }
0x29: {  	s4 =	sld [smem:$0x3FAA]  }
0x2a: {  	p0 =	seq.s32 s5, $0x0;
	s5 =	sld [smem:$0x3FAB]  }
0x2b: {  	s6 =	sld [smem:$0x3FAC]  }
0x2c: {  	s7 =	sld [smem:$0x3FAD]  }
0x2d: {  	s3 =	simm.s32 $0x108;
	s8 =	sld [smem:$0x3FAE]  }
0x2e: {  	s3 =	simm.s32 @!p0 $0x1082;
	s9 =	sld [smem:$0x3FAF]  }
0x2f: {  	lr =	sadd.s32 s0, s3;
	s0 =	sld [smem:$0x3FA6]  }
0x30: {  	s3 =	sld [smem:$0x3FA9]  }
0x31: {  	[smem:$0x3FB2] =	sst s10  }
0x32: {  	s10 =	sld [smem:$0x3FB0];
	_ =	sdelay $0x3  }
0x33: {  	p0 =	seq.s32 s10, $0x1;
	s10 =	sld [smem:$0x3FB2];
	_ =	sdelay $0x3  }
0x34: {  	[smem:$0x3FB2] =	sst s10  }
0x35: {  	s10 =	sld [smem:$0x3FB1];
	_ =	sdelay $0x3  }
0x36: {  	p1 =	seq.s32 s10, $0x1;
	s10 =	sld [smem:$0x3FB2];
	_ =	sdelay $0x3  }
0x37: {  	[smem:$0x3FB2] =	sst s10  }
0x38: {  	s10 =	sld [smem:$0x3FB3]  }
0x39: {  	_ = 	snop;
	(pc) =	sbr.ind lr, $3  }
0x3a: {  	_ = 	snop  }
0x3b: {  	_ = 	snop  }
0x3c: {  	p2 =	seq.s32 s10, $0x1;
	s10 =	sld [smem:$0x3FB2]  }
0x3d: {  	_ =	shalt  }
0x3e: {  	_ =	shalt  }
0x3f: {  	_ =	shalt  }
0x40: {  	_ =	shalt  }
0x41: {  	_ =	shalt  }
0x42: {  	_ =	shalt  }
0x43: {  	_ =	shalt  }
0x44: {  	_ =	shalt  }
0x45: {  	_ =	shalt  }
0x46: {  	_ =	shalt  }
0x47: {  	_ =	shalt  }
0x48: {  	_ =	shalt  }
0x49: {  	_ =	shalt  }
0x4a: {  	_ =	shalt  }
0x4b: {  	_ =	shalt  }
0x4c: {  	_ =	shalt  }
0x4d: {  	_ =	shalt  }
0x4e: {  	_ =	shalt  }
0x4f: {  	_ =	shalt  }
0x50: {  	_ =	shalt  }
0x51: {  	_ =	shalt  }
0x52: {  	_ =	shalt  }
0x53: {  	_ =	shalt  }
0x54: {  	_ =	shalt  }
0x55: {  	_ =	shalt  }
0x56: {  	_ =	shalt  }
0x57: {  	_ =	shalt  }
0x58: {  	_ =	shalt  }
0x59: {  	_ =	shalt  }
0x5a: {  	_ =	shalt  }
0x5b: {  	_ =	shalt  }
0x5c: {  	_ =	shalt  }
0x5d: {  	_ =	shalt  }
0x5e: {  	_ =	shalt  }
0x5f: {  	_ =	shalt  }
0x60: {  	_ =	shalt  }
0x61: {  	_ =	shalt  }
0x62: {  	_ =	shalt  }
0x63: {  	_ =	shalt  }
0x64: {  	_ =	shalt  }
0x65: {  	_ =	shalt  }
0x66: {  	_ =	shalt  }
0x67: {  	_ =	shalt  }
0x68: {  	_ =	shalt  }
0x69: {  	_ =	shalt  }
0x6a: {  	_ =	shalt  }
0x6b: {  	_ =	shalt  }
0x6c: {  	_ =	shalt  }
0x6d: {  	_ =	shalt  }
0x6e: {  	_ =	shalt  }
0x6f: {  	_ =	shalt  }
0x70: {  	_ =	shalt  }
0x71: {  	_ =	shalt  }
0x72: {  	_ =	shalt  }
0x73: {  	_ =	shalt  }
0x74: {  	_ =	shalt  }
0x75: {  	_ =	shalt  }
0x76: {  	_ =	shalt  }
0x77: {  	_ =	shalt  }
0x78: {  	_ =	shalt  }
0x79: {  	_ =	shalt  }
0x7a: {  	_ =	shalt  }
0x7b: {  	_ =	shalt  }
0x7c: {  	_ =	shalt  }
0x7d: {  	_ =	shalt  }
0x7e: {  	_ =	shalt  }
0x7f: {  	_ =	shalt  }
0x80: {  	_ =	shalt  }
0x81: {  	_ =	shalt  }
0x82: {  	_ =	shalt  }
0x83: {  	_ =	shalt  }
0x84: {  	_ =	shalt  }
0x85: {  	_ =	shalt  }
0x86: {  	_ =	shalt  }
0x87: {  	_ =	shalt  }
.Lfunc_end0:
.L_simem_size_0:
called_computation_lowered:
.L_overlay_start_0:
0x88: {  	s2 =	sld [smem:$0x3FD9]  }
0x89: {  	s3 =	sld [smem:$0x3FFE];
	_ =	sdelay $0x1  }
0x8a: {  	s1 =	srdreg.scid  }
0x8b: {  	s0 =	sand.u32 $0x1, s1  }
0x8c: {  	s16 =	sshll.u32 s0, $0xA;
	s2 =	sadd.s32 s3, s2  }
0x8d: {  	s2 =	sadd.s32 s2, s16  }
0x8e: {  	[smem:$0x3FBE] =	sst s2  }
0x8f: {  	_ = 	snop  }
0x90: {  	(tm) =	ssettm $0x1  }
0x91: {  	s17 =	sld [smem:$0x3FFB];
	_ =	sdelay $0x3  }
0x92: {  	_ =	strace s17  }
0x93: {  	s2 =	sld [smem:$0x3FFC];
	_ =	sdelay $0x3  }
0x94: {  	_ =	strace s2  }
0x95: {  	s2 =	sld [smem:$0x3FFD];
	_ =	sdelay $0x3  }
0x96: {  	_ =	strace s2  }
0x97: {  	_ =	strace $0x8FFFFFFF  }
0x98: {  	s18 =	sld [smem:$0x3FDB];
	_ =	sdelay $0x1  }
0x99: {  	s19 =	simm.s32 $_scs_section_size  }
0x9a: {  	s4 =	simm.s32 $_size__tile_overlayer_lowered;
	s5 =	simm.s32 $_tile_overlayer_lowered  }
0x9b: {  	s22 =	simm.s32 $0x1BFF;
	s21 =	sshll.u32 s5, $0x1;
	s2 =	sadd.s32 s19, s18  }
0x9c: {  	s6 =	simm.s32 $0x0;
	s20 =	sshll.u32 s4, $0x1;
	s4 =	sadd.s32 s21, s2  }
0x9d: {  	[timem:s6], [sflag:s22] =	dma.local [hbm:s4], s20  }
0x9e: {  	_ =	swait.ge [sflag:s22], s20  }
0x9f: {  	s3 =	ssub.s32 $0x0, s20;
	[sflag:s22] =	ssyncset.done $0x0  }
0xa0: {  	[sflag:s22] =	ssyncadd.s32 s3;
	_ =	sdelay $0x1  }
0xa1: {  	s23 =	simm.s32 $0x1B8B  }
0xa2: {  	_ =	swait.ge [sflag:s23], $0x1  }
0xa3: {  	[sflag:s23] =	ssyncset.done $0x0  }
0xa4: {  	s25 =	simm.s32 $0x1B8E;
	s24 =	sld [smem:$0x3FFE];
	[sflag:s23] =	ssyncadd.s32 $0xFFFFFFFF  }
0xa5: {  	s26 =	simm.s32 $execute0_lowered;
	[smem:$0x3FD2] =	sst s25  }
0xa6: {  	s4 =	sshll.u32 s26, $0x1;
	_ =	strace $0x80000046;
	[dreg:$0x1] =	wrdreg $0xFFFFFFFF  }
0xa7: {  	s28 =	simm.s32 $_size_execute0_lowered;
	s2 =	sadd.s32 s2, s4;
	[dreg:$0x0] =	wrdreg $0x0  }
0xa8: {  	s4 =	sshll.u32 s28, $0x1;
	[dreg:$0x2] =	wrdreg s2  }
0xa9: {  	[dreg:$0x3] =	wrdreg s4  }
0xaa: {  	[dreg:$0x4] =	wrdreg $0xC0  }
0xab: {  	_ =	task [dreg:s6], $0x5FFFF  }
0xac: {  	[dreg:$0x1] =	wrdreg $0xFFFFFFFF  }
0xad: {  	[dreg:$0x0] =	wrdreg $0x60  }
0xae: {  	[dreg:$0x2] =	wrdreg s24  }
0xaf: {  	[dreg:$0x3] =	wrdreg $0x9  }
0xb0: {  	_ =	task.clear_ibuf [dreg:s6], $0x4FFFF;
	_ =	strace $0x90000046  }
0xb1: {  	s29 =	simm.s32 $0x9;
	_ =	strace $0x80000048  }
0xb2: {  	_ =	swait.ge [sflag:s29], $0x1  }
0xb3: {  	[sflag:s29] =	ssyncadd.s32 $0xFFFFFFFF  }
0xb4: {  	_ =	strace $0x90000048  }
0xb5: {  	_ =	sfence  }
0xb6: {  	s30 =	sld [smem:$0x0];
	_ =	sdelay $0x2  }
0xb7: {  	s31 =	sshll.u32 s1, $0xD;
	s1 =	sshrl.u32 s1, $0x2  }
0xb8: {  	s3 =	sand.u32 $0x4000, s31;
	s1 =	sadd.s32 s1, s30  }
0xb9: {  	s0 =	sor.u32 s3, s0;
	s1 =	sshll.u32 s1, $0x11  }
0xba: {  	s0 =	sor.u32 s1, s0  }
0xbb: {  	s0 =	sadd.s32 $0x8F2B, s0  }
0xbc: {  	[sflag:s0] =	ssyncadd.remote.s32 $0x1  }
0xbd: {  	_ =	sfence.sel $0xFFFF  }
0xbe: {  	[dreg:$0x0] =	wrdreg $0xFFFFFFFF;
	(pc) =	sbr.abs _section_cstart, $3  }
0xbf: {  	[dreg:$0x1] =	wrdreg $0xFFFFFFFF  }
0xc0: {  	_ =	task.clear_ibuf [dreg:s6], $0x2FFFF;
	_ =	strace $0x9FFFFFFF  }
0xc1: {  	(tm) =	ssettm $0x7FFFFFFF  }
tec
execute0_lowered:
.L_overlay_start_1:
0x0: {  	(tag) =	ssettag $0x1  }
0x1: {  	s1 =	srdreg.scid  }
0x2: {  	s0 =	stileid.u32;
	s4 =	rddreg [dreg:$0x0];
	s2 =	simm.s32 $0x0  }
0x3: {  	s10 =	simm.s32 $0x1;
	s11 =	simm.s32 $0x9C80;
	s12 =	simm.s32 $0x2  }
0x4: {  	s3 =	sand.u32 $0x1, s1;
	s5 =	sshll.u32 s0, $0x1;
	s1 =	rddreg [dreg:$0x1]  }
0x5: {  	s13 =	simm.s32 $0x0;
	[smem:$0x7FF] =	sst s2;
	s5 =	sor.u32 s3, s5  }
0x6: {  	_ =	strace $0x80000047;
	s7 =	ssub.s32 $0x2, s3;
	s6 =	smul.u32 $0x4E2, s5  }
0x7: {  	s3 =	sadd.s32 $0x15400, s4;
	s5 =	smul.u32 $0x1400, s5;
	s8 =	sshrl.u32 s7, $0x1  }
0x8: {  	s7 =	ssub.s32 s7, s8;
	s8 =	simm.s32 $0x13C80;
	s6 =	sadd.s32 s6, s4  }
0x9: {  	s9 =	sadd.s32 s5, s4;
	s7 =	smax.u32 s7, $0x1;
	s4 =	sadd.s32 $0xB600, s6  }
0xa: {  	v0 =	vimm.f32 $0.0e+00;
	s5 =	sadd.s32 $0x1800, s6;
	s6 =	sadd.s32 $0x16800, s9;
	s9 =	simm.s32 $0x16400  }
.LBB2_1:
0xb: {  	[tilespmem:s8], [sflag:$0x1] =	stream.linear.gather [hbm4b:s4+s2], $0x2710, $0x38;
	[tilespmem:$0x18B80] =	vst v63  }
0xc: {  	_ = 	snop  }
0xd: {  	[tilespmem:s9], [sflag:$0x1] =	stream.linear.gather [hbm4b:s5+s2], $0x2710, $0x38;
	[tilespmem:$0x18B80] =	vst v63  }
0xe: {  	s14 =	simm.s32 $0x9CC0  }
0xf: {  	[tilespmem:s2], [sflag:$0x1] =	stream.linear.gather [hbm4b:s3+s2], $0x9C80, $0x38;
	[tilespmem:$0x18B80] =	vst v63  }
0x10: {  	[tilespmem:s14+$0xFFFFFFC0] =	vst v0  }
0x11: {  	[tilespmem:s14+$0x30] =	vst v0  }
0x12: {  	[tilespmem:s14+$0x20] =	vst v0  }
0x13: {  	[tilespmem:s14+$0x10] =	vst v0  }
0x14: {  	[tilespmem:s14+$0x0] =	vst v0  }
0x15: {  	[tilespmem:s14+$0xFFFFFFF0] =	vst v0  }
0x16: {  	s15 =	simm.s32 $0x0;
	[tilespmem:s14+$0xFFFFFFE0] =	vst v0  }
.LBB2_2:
0x17: {  	s15 =	sadd.s32 $0x8, s15;
	[tilespmem:s14+$0xFFFFFFD0] =	vst v0;
	s14 =	sadd.s32 $0x80, s14  }
0x18: {  	[tilespmem:s14+$0xFFFFFFC0] =	vst v0;
	p0 =	slt.u32 s15, $0x9F8  }
0x19: {  	[tilespmem:s14+$0x30] =	vst v0  }
.Ltmp0:
0x1a: {  	[tilespmem:s14+$0x20] =	vst v0;
	(pc) =	sbr.rel @p0 .LBB2_2-.Ltmp0, $4  }
0x1b: {  	[tilespmem:s14+$0x10] =	vst v0  }
0x1c: {  	[tilespmem:s14+$0x0] =	vst v0  }
0x1d: {  	[tilespmem:s14+$0xFFFFFFF0] =	vst v0  }
0x1e: {  	[tilespmem:s14+$0xFFFFFFE0] =	vst v0  }
0x1f: {  	[tilespmem:s14+$0xFFFFFFD0] =	vst v0  }
0x20: {  	_ =	swait.ge [sflag:s10], $0x2710  }
0x21: {  	[sflag:s10] =	ssyncset.done $0x0  }
0x22: {  	[sflag:s10] =	ssyncadd.s32 $0xFFFFD8F0  }
0x23: {  	_ =	swait.ge [sflag:s10], $0x2710  }
0x24: {  	[sflag:s10] =	ssyncset.done $0x0  }
0x25: {  	[sflag:s10] =	ssyncadd.s32 $0xFFFFD8F0  }
0x26: {  	_ =	swait.ge [sflag:s10], $0x9C80  }
0x27: {  	[sflag:s10] =	ssyncset.done $0x0  }
0x28: {  	s15 =	simm.s32 $0x16420;
	[sflag:s10] =	ssyncadd.s32 $0xFFFF6380  }
0x29: {  	v1 =	vld [tilespmem:s15+$0x10]  }
0x2a: {  	v2 =	vld [tilespmem:s15+$0xFFFFFFF0];
	_ =	sdelay $0x1  }
0x2b: {  	v3 =	vld [tilespmem:s15+$0xFFFFFFE0]  }
0x2c: {  	s14 =	simm.s32 $0x13CA0;
	v4 =	vld [tilespmem:s15+$0x0]  }
0x2d: {  	v5 =	vld [tilespmem:s14+$0x10];
	v1 =	vshll.u32 v1, $0x2  }
0x2e: {  	v6 =	vld [tilespmem:s14+$0xFFFFFFF0];
	v2 =	vshll.u32 v2, $0x2;
	_ =	sdelay $0x1  }
0x2f: {  	v7 =	vld [tilespmem:s14+$0xFFFFFFE0];
	v3 =	vshll.u32 v3, $0x2  }
0x30: {  	v8 =	vld [tilespmem:s14+$0x0];
	v4 =	vshll.u32 v4, $0x2  }
0x31: {  	v5 =	vshll.u32 v5, $0x2;
	v9 =	vld.idx.msk [tilespmem:v1+s2+$0x0], $0xffff  }
0x32: {  	v12 =	vshll.u32 v6, $0x2;
	v11 =	vld.idx.msk [tilespmem:v2+s2+$0x0], $0xffff  }
0x33: {  	v10 =	vor.u32 $0x1, v1  }
0x34: {  	v7 =	vshll.u32 v7, $0x2;
	v6 =	vld.idx.msk [tilespmem:v3+s2+$0x0], $0xffff  }
0x35: {  	v14 =	vshll.u32 v8, $0x2;
	v8 =	vor.u32 $0x1, v3;
	v13 =	vld.idx.msk [tilespmem:v4+s2+$0x0], $0xffff  }
0x36: {  	[tilespmem:v5+s11+$0x0] =	vst.idx.add.f32.msk $0xffff, v9  }
0x37: {  	v9 =	vor.u32 $0x1, v2;
	[tilespmem:v12+s11+$0x0] =	vst.idx.add.f32.msk $0xffff, v11  }
0x38: {  	v11 =	vor.u32 $0x1, v5;
	v10 =	vld.idx.msk [tilespmem:v10+s2+$0x0], $0xffff  }
0x39: {  	v15 =	vor.u32 $0x1, v4;
	[tilespmem:v7+s11+$0x0] =	vst.idx.add.f32.msk $0xffff, v6  }
0x3a: {  	v59 =	vor.u32 $0x1, v7;
	v8 =	vld.idx.msk [tilespmem:v8+s2+$0x0], $0xffff  }
0x3b: {  	v6 =	vor.u32 $0x2, v1;
	[tilespmem:v14+s11+$0x0] =	vst.idx.add.f32.msk $0xffff, v13  }
0x3c: {  	v17 =	vor.u32 $0x2, v3;
	v9 =	vld.idx.msk [tilespmem:v9+s2+$0x0], $0xffff  }
0x3d: {  	v16 =	vor.u32 $0x1, v12;
	[tilespmem:v11+s11+$0x0] =	vst.idx.add.f32.msk $0xffff, v10  }
0x3e: {  	v60 =	vor.u32 $0x1, v14;
	v11 =	vld.idx.msk [tilespmem:v15+s2+$0x0], $0xffff  }
0x3f: {  	[tilespmem:v59+s11+$0x0] =	vst.idx.add.f32.msk $0xffff, v8;
	v8 =	vor.u32 $0x2, v2  }
0x40: {  	v10 =	vor.u32 $0x2, v5;
	v6 =	vld.idx.msk [tilespmem:v6+s2+$0x0], $0xffff  }
0x41: {  	v1 =	vor.u32 $0x3, v1;
	v13 =	vld.idx.msk [tilespmem:v17+s2+$0x0], $0xffff  }
0x42: {  	v61 =	vor.u32 $0x2, v7;
	[tilespmem:v16+s11+$0x0] =	vst.idx.add.f32.msk $0xffff, v9  }
0x43: {  	v3 =	vor.u32 $0x3, v3;
	[tilespmem:v60+s11+$0x0] =	vst.idx.add.f32.msk $0xffff, v11  }
0x44: {  	v9 =	vor.u32 $0x2, v4;
	v63 =	vld.idx.msk [tilespmem:v8+s2+$0x0], $0xffff  }
0x45: {  	v62 =	vor.u32 $0x2, v12;
	[tilespmem:v10+s11+$0x0] =	vst.idx.add.f32.msk $0xffff, v6  }
0x46: {  	v11 =	vor.u32 $0x3, v5;
	v10 =	vld.idx.msk [tilespmem:v1+s2+$0x0], $0xffff  }
0x47: {  	[tilespmem:v61+s11+$0x0] =	vst.idx.add.f32.msk $0xffff, v13  }
0x48: {  	v6 =	vld.idx.msk [tilespmem:v3+s2+$0x0], $0xffff  }
0x49: {  	v8 =	vld.idx.msk [tilespmem:v9+s2+$0x0], $0xffff  }
0x4a: {  	v5 =	vor.u32 $0x3, v2;
	v2 =	vor.u32 $0x3, v7;
	v7 =	vor.u32 $0x2, v14;
	[tilespmem:v62+s11+$0x0] =	vst.idx.add.f32.msk $0xffff, v63  }
0x4b: {  	s16 =	simm.s32 $0x16460;
	s15 =	simm.s32 $0x0;
	v1 =	vor.u32 $0x3, v4;
	v3 =	vor.u32 $0x3, v12;
	v4 =	vor.u32 $0x3, v14;
	[tilespmem:v11+s11+$0x0] =	vst.idx.add.f32.msk $0xffff, v10  }
.LBB2_4:
0x4c: {  	v9 =	vld [tilespmem:s16+$0x10];
	s15 =	sadd.s32 $0x4, s15  }
0x4d: {  	v10 =	vld [tilespmem:s16+$0xFFFFFFF0];
	p0 =	slt.u32 s15, $0x26C  }
0x4e: {  	v11 =	vld [tilespmem:s16+$0x0]  }
0x4f: {  	v12 =	vld [tilespmem:s16+$0xFFFFFFE0]  }
0x50: {  	[tilespmem:v7+s11+$0x0] =	vst.idx.add.f32.msk $0xffff, v8  }
0x51: {  	s14 =	sadd.s32 $0x40, s14;
	v8 =	vshll.u32 v9, $0x2;
	v9 =	vld.idx.msk [tilespmem:v5+s2+$0x0], $0xffff  }
0x52: {  	v7 =	vshll.u32 v10, $0x2;
	v10 =	vld [tilespmem:s14+$0x10]  }
0x53: {  	v13 =	vld [tilespmem:s14+$0xFFFFFFE0];
	v14 =	vor.u32 $0x1, v7;
	v15 =	vor.u32 $0x2, v7;
	v11 =	vshll.u32 v11, $0x2  }
0x54: {  	v12 =	vshll.u32 v12, $0x2;
	v16 =	vld [tilespmem:s14+$0xFFFFFFF0];
	v17 =	vor.u32 $0x1, v11;
	v18 =	vor.u32 $0x2, v11  }
0x55: {  	v19 =	vor.u32 $0x1, v12;
	v20 =	vor.u32 $0x2, v12;
	v21 =	vor.u32 $0x3, v12;
	v22 =	vld [tilespmem:s14+$0x0]  }
0x56: {  	v5 =	vor.u32 $0x3, v7;
	v23 =	vor.u32 $0x3, v11;
	v24 =	vld.idx.msk [tilespmem:v8+s2+$0x0], $0xffff  }
0x57: {  	v25 =	vld.idx.msk [tilespmem:v7+s2+$0x0], $0xffff;
	v10 =	vshll.u32 v10, $0x2  }
0x58: {  	v26 =	vor.u32 $0x1, v8;
	v13 =	vshll.u32 v13, $0x2;
	v11 =	vld.idx.msk [tilespmem:v11+s2+$0x0], $0xffff  }
0x59: {  	v12 =	vld.idx.msk [tilespmem:v12+s2+$0x0], $0xffff;
	v27 =	vor.u32 $0x1, v13;
	v28 =	vor.u32 $0x2, v13;
	v16 =	vshll.u32 v16, $0x2  }
0x5a: {  	v29 =	vor.u32 $0x1, v16;
	v30 =	vor.u32 $0x2, v16;
	v22 =	vshll.u32 v22, $0x2;
	v31 =	vld.idx.msk [tilespmem:v1+s2+$0x0], $0xffff;
	v1 =	vmovc v23  }
0x5b: {  	v23 =	vor.u32 $0x1, v22;
	v7 =	vor.u32 $0x2, v22;
	[tilespmem:v2+s11+$0x0] =	vst.idx.add.f32.msk $0xffff, v6;
	v2 =	vor.u32 $0x3, v13  }
0x5c: {  	v6 =	vor.u32 $0x3, v16;
	v32 =	vor.u32 $0x3, v22;
	[tilespmem:v10+s11+$0x0] =	vst.idx.add.f32.msk $0xffff, v24  }
0x5d: {  	v24 =	vld.idx.msk [tilespmem:v26+s2+$0x0], $0xffff  }
0x5e: {  	[tilespmem:v16+s11+$0x0] =	vst.idx.add.f32.msk $0xffff, v25;
	v16 =	vor.u32 $0x1, v10  }
0x5f: {  	[tilespmem:v13+s11+$0x0] =	vst.idx.add.f32.msk $0xffff, v12;
	v12 =	vor.u32 $0x2, v8  }
0x60: {  	[tilespmem:v22+s11+$0x0] =	vst.idx.add.f32.msk $0xffff, v11  }
0x61: {  	v11 =	vld.idx.msk [tilespmem:v19+s2+$0x0], $0xffff  }
0x62: {  	v13 =	vld.idx.msk [tilespmem:v14+s2+$0x0], $0xffff  }
0x63: {  	[tilespmem:v16+s11+$0x0] =	vst.idx.add.f32.msk $0xffff, v24  }
0x64: {  	v12 =	vld.idx.msk [tilespmem:v12+s2+$0x0], $0xffff  }
0x65: {  	v16 =	vor.u32 $0x2, v10;
	v14 =	vld.idx.msk [tilespmem:v17+s2+$0x0], $0xffff  }
0x66: {  	v8 =	vor.u32 $0x3, v8;
	[tilespmem:v3+s11+$0x0] =	vst.idx.add.f32.msk $0xffff, v9;
	v3 =	vmov v6  }
0x67: {  	[tilespmem:v27+s11+$0x0] =	vst.idx.add.f32.msk $0xffff, v11  }
0x68: {  	[tilespmem:v29+s11+$0x0] =	vst.idx.add.f32.msk $0xffff, v13  }
0x69: {  	v6 =	vld.idx.msk [tilespmem:v20+s2+$0x0], $0xffff  }
0x6a: {  	[tilespmem:v16+s11+$0x0] =	vst.idx.add.f32.msk $0xffff, v12  }
0x6b: {  	v9 =	vld.idx.msk [tilespmem:v8+s2+$0x0], $0xffff  }
0x6c: {  	v10 =	vor.u32 $0x3, v10;
	[tilespmem:v23+s11+$0x0] =	vst.idx.add.f32.msk $0xffff, v14  }
0x6d: {  	v11 =	vld.idx.msk [tilespmem:v15+s2+$0x0], $0xffff  }
0x6e: {  	v8 =	vld.idx.msk [tilespmem:v18+s2+$0x0], $0xffff  }
.Ltmp1:
0x6f: {  	[tilespmem:v28+s11+$0x0] =	vst.idx.add.f32.msk $0xffff, v6;
	(pc) =	sbr.rel @p0 .LBB2_4-.Ltmp1, $4  }
0x70: {  	v6 =	vld.idx.msk [tilespmem:v21+s2+$0x0], $0xffff  }
0x71: {  	[tilespmem:v10+s11+$0x0] =	vst.idx.add.f32.msk $0xffff, v9  }
0x72: {  	[tilespmem:v4+s11+$0x0] =	vst.idx.add.f32.msk $0xffff, v31;
	v4 =	vmov v32  }
0x73: {  	s16 =	sadd.s32 $0x40, s16;
	[tilespmem:v30+s11+$0x0] =	vst.idx.add.f32.msk $0xffff, v11  }
0x74: {  	_ =	sdelay $0x3  }
0x75: {  	[tilespmem:v7+s11+$0x0] =	vst.idx.add.f32.msk $0xffff, v8  }
0x76: {  	v5 =	vld.idx.msk [tilespmem:v5+s2+$0x0], $0xffff  }
0x77: {  	v1 =	vld.idx.msk [tilespmem:v1+s2+$0x0], $0xffff;
	_ =	sdelay $0x2  }
0x78: {  	[tilespmem:v2+s11+$0x0] =	vst.idx.add.f32.msk $0xffff, v6  }
0x79: {  	[tilespmem:v3+s11+$0x0] =	vst.idx.add.f32.msk $0xffff, v5  }
0x7a: {  	[tilespmem:v4+s11+$0x0] =	vst.idx.add.f32.msk $0xffff, v1  }
0x7b: {  	v1 =	vld [tilespmem:$0x18B00];
	_ =	sdelay $0x4  }
0x7c: {  	v2 =	vld [tilespmem:$0x16380];
	v1 =	vshll.u32 v1, $0x2;
	_ =	sdelay $0x4  }
0x7d: {  	v2 =	vshll.u32 v2, $0x2;
	v3 =	vld.idx.msk [tilespmem:v1+s2+$0x0], $0xffff  }
0x7e: {  	v60 =	vor.u32 $0x1, v1;
	_ =	sdelay $0x3  }
0x7f: {  	[tilespmem:v2+s11+$0x0] =	vst.idx.add.f32.msk $0xffff, v3  }
0x80: {  	v61 =	vor.u32 $0x1, v2;
	v3 =	vld.idx.msk [tilespmem:v60+s2+$0x0], $0xffff  }
0x81: {  	v62 =	vor.u32 $0x2, v1;
	_ =	sdelay $0x3  }
0x82: {  	[tilespmem:v61+s11+$0x0] =	vst.idx.add.f32.msk $0xffff, v3  }
0x83: {  	v63 =	vor.u32 $0x2, v2;
	v3 =	vld.idx.msk [tilespmem:v62+s2+$0x0], $0xffff  }
0x84: {  	v1 =	vor.u32 $0x3, v1;
	_ =	sdelay $0x3  }
0x85: {  	[tilespmem:v63+s11+$0x0] =	vst.idx.add.f32.msk $0xffff, v3  }
0x86: {  	v2 =	vor.u32 $0x3, v2;
	v1 =	vld.idx.msk [tilespmem:v1+s2+$0x0], $0xffff;
	_ =	sdelay $0x2  }
0x87: {  	s13 =	sadd.s32 $0x1, s13  }
0x88: {  	p0 =	sne.s32 s13, s7  }
.Ltmp2:
0x89: {  	[tilespmem:v2+s11+$0x0] =	vst.idx.add.f32.msk $0xffff, v1;
	(pc) =	sbr.rel @p0 .LBB2_1-.Ltmp2, $4  }
0x8a: {  	[hbm4b:s6+s2] =	stream.linear.scatter [tilespmem:s11], [sflag:$0x2], $0xA000, $0x38;
	[tilespmem:$0x18B80] =	vst v63  }
0x8b: {  	_ =	swait.ge [sflag:s12], $0xA000  }
0x8c: {  	[sflag:s12] =	ssyncset.done $0x0  }
0x8d: {  	[sflag:s12] =	ssyncadd.s32 $0xFFFF6000  }
0x8e: {  	_ =	sfence.sel $0x180000  }
0x8f: {  	[bflag:$0x0] =	sbarrier.arrive $0xFFFF  }
0x90: {  	p0 =	sne.s32 s0, $0x0;
	_ =	strace $0x90000047  }
0x91: {  	s0 =	sadd.s32 @!p0 $0x100000, s1;
	[bflag:$0x2] =	sbarrier.arrive $0xFFFF  }
0x92: {  	[sflag:s0] =	ssyncadd.tile.s32 @!p0 $0x1;
	_ =	shalt  }
.Lfunc_end2:
_tile_overlayer_lowered:
.L_overlay_start_2:
0x93: {  	(tag) =	ssettag $0x2  }
0x94: {  	s0 =	rddreg [dreg:$0x0];
	s2 =	stileid.u32  }
0x95: {  	s1 =	rddreg [dreg:$0x1];
	p0 =	sne.s32 s2, $0x0  }
0x96: {  	s3 =	rddreg [dreg:$0x2];
	[bflag:$0x3] =	sbarrier.arrive $0xFFFF;
	s2 =	simm.s32 @!p0 $0x1C02  }
0x97: {  	[timem:s3], [sflag:s2] =	dma.local @!p0 [hbm:s0], s1  }
0x98: {  	s0 =	simm.s32 @!p0 $0x2  }
0x99: {  	_ =	swait.ge @!p0 [sflag:s0], s1  }
0x9a: {  	s1 =	ssub.s32 @!p0 $0x0, s1;
	[sflag:s0] =	ssyncset.done @!p0 $0x0  }
0x9b: {  	[sflag:s0] =	ssyncadd.s32 @!p0 s1  }
0x9c: {  	[bflag:$0x3] =	sbarrier.arrive $0xFFFF  }
0x9d: {  	_ =	shalt  }

</sc_bundles>
